<compile_context>
chip_gen: v7x
topology: tpu7x:2x2x1
jax: 0.10.2.dev20260603
libtpu: 0.0.44.dev20260713+nightly
codegen_flags: <defaults>
</compile_context>

<pallas_src>
import functools

import jax
import jax.numpy as jnp
from jax import lax
from jax.experimental import pallas as pl
from jax.experimental.pallas import tpu as pltpu
from jax.experimental.pallas import tpu_sc as plsc

K = 8192
D = 256
NB = 8
T = 24 * 24
N = NB * T
KB = 512
NKB = K // KB
NW = 32
BPW = N // NW
CH = 72
NCH = BPW // CH
COMMIT = 0.25


def _argmin_body(x_ref, e_ref, idx_ref, loss_ref, rv, ri, ti):
    kb = pl.program_id(0)
    E = e_ref[...]
    e2 = jnp.sum(E * E, axis=1, keepdims=True)
    S = lax.dot_general(E, x_ref[...], (((1,), (0,)), ((), ())),
                        preferred_element_type=jnp.float32)
    d = e2 + S
    bm = jnp.min(d, axis=0, keepdims=True)
    m_f = jnp.where(d == bm, 1.0, 0.0)
    lane = lax.broadcasted_iota(jnp.int32, (8, KB), 1)
    sub = lax.broadcasted_iota(jnp.int32, (8, KB), 0)
    lo = (lane & 63).astype(jnp.float32)
    hi = (lane >> 6).astype(jnp.float32)
    one = jnp.float32(1.0)
    lhs = jnp.where(sub == 0, lo,
                    jnp.where(sub == 1, hi,
                              jnp.where(sub == 2, one, 0.0)))
    sc = lax.dot_general(lhs, m_f, (((1,), (0,)), ((), ())),
                         preferred_element_type=jnp.float32)
    bi = jnp.floor(sc[0:1] + 64.0 * sc[1:2] + 0.5)
    cnt = sc[2:3]

    @pl.when(jnp.max(cnt) > 1.5)
    def _():
        iif = lax.broadcasted_iota(jnp.int32, (KB, N), 0).astype(jnp.float32)
        ti[...] = jnp.min(jnp.where(d == bm, iif, float(K)), axis=0,
                          keepdims=True)

    @pl.when(jnp.max(cnt) <= 1.5)
    def _():
        ti[...] = bi

    bi = ti[...]

    @pl.when(kb == 0)
    def _():
        rv[...] = bm
        ri[...] = bi.astype(jnp.int32)

    @pl.when(kb > 0)
    def _():
        take = bm < rv[...]
        ri[...] = jnp.where(take, bi.astype(jnp.int32) + kb * KB, ri[...])
        rv[...] = jnp.where(take, bm, rv[...])

    @pl.when(kb == NKB - 1)
    def _():
        x2 = jnp.sum(x_ref[...] * x_ref[...], axis=0, keepdims=True) * 0.25
        idx_ref[...] = ri[...]
        loss_ref[0, 0] = jnp.sum(rv[...] + x2) * ((1.0 + COMMIT) / (N * D))


def _tc_argmin(xt, emb):
    return pl.pallas_call(
        _argmin_body,
        grid=(NKB,),
        in_specs=[
            pl.BlockSpec((D, N), lambda kb: (0, 0)),
            pl.BlockSpec((KB, D), lambda kb: (kb, 0)),
        ],
        out_specs=[
            pl.BlockSpec((1, N), lambda kb: (0, 0)),
            pl.BlockSpec(memory_space=pltpu.SMEM),
        ],
        out_shape=[
            jax.ShapeDtypeStruct((1, N), jnp.int32),
            jax.ShapeDtypeStruct((1, 1), jnp.float32),
        ],
        scratch_shapes=[
            pltpu.VMEM((1, N), jnp.float32),
            pltpu.VMEM((1, N), jnp.int32),
            pltpu.VMEM((1, N), jnp.float32),
        ],
    )(xt, emb)


def _sc_body(emb_hbm, idx_hbm, z_hbm, q_hbm, cnt_hbm,
             idx_v, rows_v, ones_v, hist_sh, sem):
    cid = lax.axis_index("c")
    sid = lax.axis_index("s")
    wid = sid * 2 + cid
    base = wid * BPW
    for j in range(NCH):
        pltpu.sync_copy(idx_hbm.at[pl.ds(base + j * CH, CH)], idx_v.at[j])
    cps = [pltpu.async_copy(emb_hbm.at[idx_v.at[j]],
                            rows_v.at[pl.ds(j * CH, CH)], sem)
           for j in range(NCH)]
    for cp in cps:
        cp.wait()
    pltpu.sync_copy(rows_v, q_hbm.at[pl.ds(base, BPW)])
    for j in range(BPW // 16):
        ones_v[pl.ds(j * 16, 16)] = jnp.ones((16,), jnp.float32)

    @pl.when(sid == 0)
    def _():
        pltpu.sync_copy(z_hbm, hist_sh)

    plsc.subcore_barrier()
    for j in range(NCH):
        pltpu.sync_copy(ones_v.at[pl.ds(0, CH)],
                        hist_sh.at[idx_v.at[j]], add=True)
    plsc.subcore_barrier()

    @pl.when(sid == 0)
    def _():
        pltpu.sync_copy(hist_sh, cnt_hbm.at[cid])


def _sc_gather_hist(emb, idx_flat, zeros):
    mesh = plsc.VectorSubcoreMesh(core_axis_name="c", subcore_axis_name="s")
    run = functools.partial(
        pl.kernel,
        out_type=[
            jax.ShapeDtypeStruct((N, D), jnp.float32),
            jax.ShapeDtypeStruct((2, K), jnp.float32),
        ],
        mesh=mesh,
        scratch_types=[
            pltpu.VMEM((NCH, CH), jnp.int32),
            pltpu.VMEM((BPW, D), jnp.float32),
            pltpu.VMEM((BPW,), jnp.float32),
            pltpu.VMEM_SHARED((K,), jnp.float32),
            pltpu.SemaphoreType.DMA,
        ],
    )(_sc_body)
    return run(emb, idx_flat, zeros)


def _perp_body(cnt_ref, out_ref):
    c = cnt_ref[0:1, :] + cnt_ref[1:2, :]
    p = c * (1.0 / N)
    ent = jnp.sum(p * jnp.log(p + 1e-10))
    out_ref[0, 0] = jnp.exp(-ent)


def _tc_perp(cnt):
    return pl.pallas_call(
        _perp_body,
        in_specs=[pl.BlockSpec((2, K), lambda: (0, 0))],
        out_specs=pl.BlockSpec(memory_space=pltpu.SMEM),
        out_shape=jax.ShapeDtypeStruct((1, 1), jnp.float32),
        grid=(),
    )(cnt)


def kernel(inputs, embeddings):
    B_, C, H, W = inputs.shape
    xt = jnp.transpose(inputs.reshape(NB, D, T) * (-2.0),
                       (1, 0, 2)).reshape(D, N)
    idx2d, loss_s = _tc_argmin(xt, embeddings)
    idx_flat = idx2d.reshape(N)
    zeros = jnp.zeros((K,), jnp.float32)
    q, cnt = _sc_gather_hist(embeddings, idx_flat, zeros)
    perp_s = _tc_perp(cnt)
    quantized = jnp.transpose(q.reshape(NB, H, W, D), (0, 3, 1, 2))
    return quantized, loss_s[0, 0], perp_s[0, 0], idx2d.reshape(NB, H, W)

# --- scband reference (transcript-rebuilt; emitter-appended) ---
"""Pipeline reference for scband-fixed-semantic-codebook-68023692034240 (READ-ONLY COPY).

The authoritative reference and input builder live on the scoring server;
editing this copy changes nothing except your own understanding.
"""

import jax, jax.numpy as jnp
import numpy as np

NUM_EMBEDDINGS = 8192
EMBEDDING_DIM = 256
COMMITMENT_COST = 0.25


def setup_inputs(seed: int = 0) -> dict:
    key = jax.random.key(seed)
    k1, k2 = jax.random.split(key)
    inputs = jax.random.normal(k1, (8, 256, 24, 24), dtype=jnp.float32)
    # learned codebook parameter (module lazily inits it to L2-normalized projected CLIP embeddings;
    # we materialize an equivalent normalized random codebook)
    emb = jax.random.normal(k2, (NUM_EMBEDDINGS, EMBEDDING_DIM), dtype=jnp.float32)
    emb = emb / (jnp.linalg.norm(emb, axis=1, keepdims=True) + 1e-12)
    return {"inputs": inputs, "embeddings": emb}


def reference(inputs, embeddings):
    B, C, H, W = inputs.shape
    flat_input = jnp.transpose(inputs, (0, 2, 3, 1)).reshape(-1, C)
    distances = (
        jnp.sum(flat_input ** 2, axis=1, keepdims=True)
        + jnp.sum(embeddings ** 2, axis=1)
        - 2.0 * jnp.matmul(flat_input, embeddings.T)
    )
    encoding_indices = jnp.argmin(distances, axis=1)
    encodings = jax.nn.one_hot(encoding_indices, embeddings.shape[0], dtype=jnp.float32)
    quantized = jnp.matmul(encodings, embeddings)
    commitment_loss = jnp.mean((jax.lax.stop_gradient(quantized) - flat_input) ** 2) * COMMITMENT_COST
    embedding_loss = jnp.mean((quantized - jax.lax.stop_gradient(flat_input)) ** 2)
    # straight-through estimator
    quantized_st = flat_input + jax.lax.stop_gradient(quantized - flat_input)
    quantized_out = jnp.transpose(quantized_st.reshape(B, H, W, C), (0, 3, 1, 2))
    indices_out = encoding_indices.reshape(B, H, W)
    avg_probs = jnp.mean(encodings, axis=0)
    perplexity = jnp.exp(-jnp.sum(avg_probs * jnp.log(avg_probs + 1e-10)))
    loss = commitment_loss + embedding_loss
    return quantized_out, loss, perplexity, indices_out

if __name__ == "__main__":
    import jax
    _d = setup_inputs()
    print(jax.jit(kernel)(*tuple(_d.values())))

</pallas_src>

<mosaic_0001>
#map = affine_map<(d0, d1) -> (0, 0)>
#map1 = affine_map<(d0, d1) -> (0)>
module attributes {stable_mosaic.version = 14 : i64} {
  func.func @_sc_body(%arg0: i32, %arg1: i32, %arg2: memref<8192x256xf32, #tpu.memory_space<hbm>>, %arg3: memref<4608xi32, #tpu.memory_space<hbm>>, %arg4: memref<8192xf32, #tpu.memory_space<hbm>>, %arg5: memref<4608x256xf32, #tpu.memory_space<hbm>>, %arg6: memref<2x8192xf32, #tpu.memory_space<hbm>>, %arg7: memref<2x72xi32, #tpu.memory_space<vmem>>, %arg8: memref<144x256xf32, #tpu.memory_space<vmem>>, %arg9: memref<144xf32, #tpu.memory_space<vmem>>, %arg10: memref<8192xf32, #tpu.memory_space<vmem_shared>>, %arg11: memref<!tpu.dma_semaphore, #tpu.memory_space<semaphore_mem>>) attributes {dimension_semantics = [#tpu.dimension_semantics<core_parallel>, #tpu.dimension_semantics<subcore_parallel>], iteration_bounds = array<i64: 2, 16>, scalar_prefetch = 0 : i64, scratch_operands = 5 : i64, tpu.core_type = #tpu.core_type<sc_vector_subcore>, window_params = [{transform_indices = #map}, {transform_indices = #map1}, {transform_indices = #map1}, {transform_indices = #map}, {transform_indices = #map}]} {
    %mul3A = arith.constant 2 : i32
    %mul3A_0 = arith.muli %arg1, %mul3A : i32
    %add3A = arith.addi %mul3A_0, %arg0 : i32
    %mul3A_1 = arith.constant 144 : i32
    %mul3A_2 = arith.muli %add3A, %mul3A_1 : i32
    %add3A_3 = arith.constant 0 : i32
    %add3A_4 = arith.addi %mul3A_2, %add3A_3 : i32
    %run_scoped3A = arith.constant 0 : i32
    "tpu.region"() ({
      %run_scoped3A_108 = tpu.sem_alloc : memref<!tpu.dma_semaphore, #tpu.memory_space<semaphore_mem>>
      %dma_start3A_109 = arith.constant 0 : i32
      %dma_start3A_110 = tpu.memref_slice %arg7[%run_scoped3A, %dma_start3A_109] : memref<2x72xi32, #tpu.memory_space<vmem>> -> memref<1x72xi32, #tpu.memory_space<vmem>>
      %dma_start3A_111 = tpu.memref_squeeze %dma_start3A_110 : memref<1x72xi32, #tpu.memory_space<vmem>> -> memref<72xi32, #tpu.memory_space<vmem>>
      %dma_start3A_112 = tpu.memref_slice %arg3[%add3A_4] : memref<4608xi32, #tpu.memory_space<hbm>> -> memref<72xi32, #tpu.memory_space<hbm>>
      %dma_start3A_113 = arith.constant 0 : i32
      %dma_start3A_114 = tpu.memref_slice %arg7[%run_scoped3A, %dma_start3A_113] : memref<2x72xi32, #tpu.memory_space<vmem>> -> memref<1x72xi32, #tpu.memory_space<vmem>>
      %dma_start3A_115 = tpu.memref_squeeze %dma_start3A_114 : memref<1x72xi32, #tpu.memory_space<vmem>> -> memref<72xi32, #tpu.memory_space<vmem>>
      %dma_start3A_116 = tpu.memref_slice %arg3[%add3A_4] : memref<4608xi32, #tpu.memory_space<hbm>> -> memref<72xi32, #tpu.memory_space<hbm>>
      tpu.enqueue_dma source(%dma_start3A_116 : memref<72xi32, #tpu.memory_space<hbm>>) target(%dma_start3A_115 : memref<72xi32, #tpu.memory_space<vmem>>) target_semaphore(%run_scoped3A_108 : memref<!tpu.dma_semaphore, #tpu.memory_space<semaphore_mem>>)
      %dma_wait3A_117 = arith.constant 0 : i32
      %dma_wait3A_118 = tpu.memref_slice %arg7[%run_scoped3A, %dma_wait3A_117] : memref<2x72xi32, #tpu.memory_space<vmem>> -> memref<1x72xi32, #tpu.memory_space<vmem>>
      %dma_wait3A_119 = tpu.memref_squeeze %dma_wait3A_118 : memref<1x72xi32, #tpu.memory_space<vmem>> -> memref<72xi32, #tpu.memory_space<vmem>>
      %dma_wait3A_120 = tpu.memref_slice %arg3[%add3A_4] : memref<4608xi32, #tpu.memory_space<hbm>> -> memref<72xi32, #tpu.memory_space<hbm>>
      %dma_wait3A_121 = arith.constant 0 : i32
      %dma_wait3A_122 = tpu.memref_slice %arg7[%run_scoped3A, %dma_wait3A_121] : memref<2x72xi32, #tpu.memory_space<vmem>> -> memref<1x72xi32, #tpu.memory_space<vmem>>
      %dma_wait3A_123 = tpu.memref_squeeze %dma_wait3A_122 : memref<1x72xi32, #tpu.memory_space<vmem>> -> memref<72xi32, #tpu.memory_space<vmem>>
      %dma_wait3A_124 = tpu.memref_slice %arg3[%add3A_4] : memref<4608xi32, #tpu.memory_space<hbm>> -> memref<72xi32, #tpu.memory_space<hbm>>
      tpu.wait_dma2 semaphore(%run_scoped3A_108 : memref<!tpu.dma_semaphore, #tpu.memory_space<semaphore_mem>>) src(%dma_wait3A_124 : memref<72xi32, #tpu.memory_space<hbm>>) dst(%dma_wait3A_123 : memref<72xi32, #tpu.memory_space<vmem>>)
      tpu.yield
    }) : () -> ()
    %add3A_5 = arith.constant 72 : i32
    %add3A_6 = arith.addi %mul3A_2, %add3A_5 : i32
    %run_scoped3A_7 = arith.constant 1 : i32
    "tpu.region"() ({
      %run_scoped3A_108 = tpu.sem_alloc : memref<!tpu.dma_semaphore, #tpu.memory_space<semaphore_mem>>
      %dma_start3A_109 = arith.constant 0 : i32
      %dma_start3A_110 = tpu.memref_slice %arg7[%run_scoped3A_7, %dma_start3A_109] : memref<2x72xi32, #tpu.memory_space<vmem>> -> memref<1x72xi32, #tpu.memory_space<vmem>>
      %dma_start3A_111 = tpu.memref_squeeze %dma_start3A_110 : memref<1x72xi32, #tpu.memory_space<vmem>> -> memref<72xi32, #tpu.memory_space<vmem>>
      %dma_start3A_112 = tpu.memref_slice %arg3[%add3A_6] : memref<4608xi32, #tpu.memory_space<hbm>> -> memref<72xi32, #tpu.memory_space<hbm>>
      %dma_start3A_113 = arith.constant 0 : i32
      %dma_start3A_114 = tpu.memref_slice %arg7[%run_scoped3A_7, %dma_start3A_113] : memref<2x72xi32, #tpu.memory_space<vmem>> -> memref<1x72xi32, #tpu.memory_space<vmem>>
      %dma_start3A_115 = tpu.memref_squeeze %dma_start3A_114 : memref<1x72xi32, #tpu.memory_space<vmem>> -> memref<72xi32, #tpu.memory_space<vmem>>
      %dma_start3A_116 = tpu.memref_slice %arg3[%add3A_6] : memref<4608xi32, #tpu.memory_space<hbm>> -> memref<72xi32, #tpu.memory_space<hbm>>
      tpu.enqueue_dma source(%dma_start3A_116 : memref<72xi32, #tpu.memory_space<hbm>>) target(%dma_start3A_115 : memref<72xi32, #tpu.memory_space<vmem>>) target_semaphore(%run_scoped3A_108 : memref<!tpu.dma_semaphore, #tpu.memory_space<semaphore_mem>>)
      %dma_wait3A_117 = arith.constant 0 : i32
      %dma_wait3A_118 = tpu.memref_slice %arg7[%run_scoped3A_7, %dma_wait3A_117] : memref<2x72xi32, #tpu.memory_space<vmem>> -> memref<1x72xi32, #tpu.memory_space<vmem>>
      %dma_wait3A_119 = tpu.memref_squeeze %dma_wait3A_118 : memref<1x72xi32, #tpu.memory_space<vmem>> -> memref<72xi32, #tpu.memory_space<vmem>>
      %dma_wait3A_120 = tpu.memref_slice %arg3[%add3A_6] : memref<4608xi32, #tpu.memory_space<hbm>> -> memref<72xi32, #tpu.memory_space<hbm>>
      %dma_wait3A_121 = arith.constant 0 : i32
      %dma_wait3A_122 = tpu.memref_slice %arg7[%run_scoped3A_7, %dma_wait3A_121] : memref<2x72xi32, #tpu.memory_space<vmem>> -> memref<1x72xi32, #tpu.memory_space<vmem>>
      %dma_wait3A_123 = tpu.memref_squeeze %dma_wait3A_122 : memref<1x72xi32, #tpu.memory_space<vmem>> -> memref<72xi32, #tpu.memory_space<vmem>>
      %dma_wait3A_124 = tpu.memref_slice %arg3[%add3A_6] : memref<4608xi32, #tpu.memory_space<hbm>> -> memref<72xi32, #tpu.memory_space<hbm>>
      tpu.wait_dma2 semaphore(%run_scoped3A_108 : memref<!tpu.dma_semaphore, #tpu.memory_space<semaphore_mem>>) src(%dma_wait3A_124 : memref<72xi32, #tpu.memory_space<hbm>>) dst(%dma_wait3A_123 : memref<72xi32, #tpu.memory_space<vmem>>)
      tpu.yield
    }) : () -> ()
    %dma_start3A = arith.constant 0 : i32
    %dma_start3A_8 = arith.constant 0 : i32
    %dma_start3A_9 = arith.constant 0 : i32
    %dma_start3A_10 = tpu.memref_slice %arg8[%dma_start3A_8, %dma_start3A_9] : memref<144x256xf32, #tpu.memory_space<vmem>> -> memref<72x256xf32, #tpu.memory_space<vmem>>
    %dma_start3A_11 = arith.constant 0 : i32
    %dma_start3A_12 = tpu.memref_slice %arg7[%dma_start3A, %dma_start3A_11] : memref<2x72xi32, #tpu.memory_space<vmem>> -> memref<1x72xi32, #tpu.memory_space<vmem>>
    %dma_start3A_13 = tpu.memref_squeeze %dma_start3A_12 : memref<1x72xi32, #tpu.memory_space<vmem>> -> memref<72xi32, #tpu.memory_space<vmem>>
    %dma_start3A_14 = arith.constant 0 : i32
    %dma_start3A_15 = arith.constant 0 : i32
    %dma_start3A_16 = tpu.memref_slice %arg2[%dma_start3A_14, %dma_start3A_15] : memref<8192x256xf32, #tpu.memory_space<hbm>> -> memref<8192x256xf32, #tpu.memory_space<hbm>>
    tpu.enqueue_indirect_dma source(%dma_start3A_16 : memref<8192x256xf32, #tpu.memory_space<hbm>>) target(%dma_start3A_10 : memref<72x256xf32, #tpu.memory_space<vmem>>) offsets(%dma_start3A_13 : memref<72xi32, #tpu.memory_space<vmem>>) semaphore(%arg11 : memref<!tpu.dma_semaphore, #tpu.memory_space<semaphore_mem>>)
    %dma_start3A_17 = arith.constant 1 : i32
    %dma_start3A_18 = arith.constant 72 : i32
    %dma_start3A_19 = arith.constant 0 : i32
    %dma_start3A_20 = tpu.memref_slice %arg8[%dma_start3A_18, %dma_start3A_19] : memref<144x256xf32, #tpu.memory_space<vmem>> -> memref<72x256xf32, #tpu.memory_space<vmem>>
    %dma_start3A_21 = arith.constant 0 : i32
    %dma_start3A_22 = tpu.memref_slice %arg7[%dma_start3A_17, %dma_start3A_21] : memref<2x72xi32, #tpu.memory_space<vmem>> -> memref<1x72xi32, #tpu.memory_space<vmem>>
    %dma_start3A_23 = tpu.memref_squeeze %dma_start3A_22 : memref<1x72xi32, #tpu.memory_space<vmem>> -> memref<72xi32, #tpu.memory_space<vmem>>
    %dma_start3A_24 = arith.constant 0 : i32
    %dma_start3A_25 = arith.constant 0 : i32
    %dma_start3A_26 = tpu.memref_slice %arg2[%dma_start3A_24, %dma_start3A_25] : memref<8192x256xf32, #tpu.memory_space<hbm>> -> memref<8192x256xf32, #tpu.memory_space<hbm>>
    tpu.enqueue_indirect_dma source(%dma_start3A_26 : memref<8192x256xf32, #tpu.memory_space<hbm>>) target(%dma_start3A_20 : memref<72x256xf32, #tpu.memory_space<vmem>>) offsets(%dma_start3A_23 : memref<72xi32, #tpu.memory_space<vmem>>) semaphore(%arg11 : memref<!tpu.dma_semaphore, #tpu.memory_space<semaphore_mem>>)
    %dma_wait3A = arith.constant 0 : i32
    %dma_wait3A_27 = arith.constant 0 : i32
    %dma_wait3A_28 = arith.constant 0 : i32
    %dma_wait3A_29 = tpu.memref_slice %arg8[%dma_wait3A_27, %dma_wait3A_28] : memref<144x256xf32, #tpu.memory_space<vmem>> -> memref<72x256xf32, #tpu.memory_space<vmem>>
    %dma_wait3A_30 = arith.constant 0 : i32
    %dma_wait3A_31 = tpu.memref_slice %arg7[%dma_wait3A, %dma_wait3A_30] : memref<2x72xi32, #tpu.memory_space<vmem>> -> memref<1x72xi32, #tpu.memory_space<vmem>>
    %dma_wait3A_32 = tpu.memref_squeeze %dma_wait3A_31 : memref<1x72xi32, #tpu.memory_space<vmem>> -> memref<72xi32, #tpu.memory_space<vmem>>
    %dma_wait3A_33 = arith.constant 0 : i32
    %dma_wait3A_34 = arith.constant 0 : i32
    %dma_wait3A_35 = tpu.memref_slice %arg2[%dma_wait3A_33, %dma_wait3A_34] : memref<8192x256xf32, #tpu.memory_space<hbm>> -> memref<8192x256xf32, #tpu.memory_space<hbm>>
    tpu.wait_indirect_dma semaphore(%arg11 : memref<!tpu.dma_semaphore, #tpu.memory_space<semaphore_mem>>) src(%dma_wait3A_35 : memref<8192x256xf32, #tpu.memory_space<hbm>>) dst(%dma_wait3A_29 : memref<72x256xf32, #tpu.memory_space<vmem>>)
    %dma_wait3A_36 = arith.constant 1 : i32
    %dma_wait3A_37 = arith.constant 72 : i32
    %dma_wait3A_38 = arith.constant 0 : i32
    %dma_wait3A_39 = tpu.memref_slice %arg8[%dma_wait3A_37, %dma_wait3A_38] : memref<144x256xf32, #tpu.memory_space<vmem>> -> memref<72x256xf32, #tpu.memory_space<vmem>>
    %dma_wait3A_40 = arith.constant 0 : i32
    %dma_wait3A_41 = tpu.memref_slice %arg7[%dma_wait3A_36, %dma_wait3A_40] : memref<2x72xi32, #tpu.memory_space<vmem>> -> memref<1x72xi32, #tpu.memory_space<vmem>>
    %dma_wait3A_42 = tpu.memref_squeeze %dma_wait3A_41 : memref<1x72xi32, #tpu.memory_space<vmem>> -> memref<72xi32, #tpu.memory_space<vmem>>
    %dma_wait3A_43 = arith.constant 0 : i32
    %dma_wait3A_44 = arith.constant 0 : i32
    %dma_wait3A_45 = tpu.memref_slice %arg2[%dma_wait3A_43, %dma_wait3A_44] : memref<8192x256xf32, #tpu.memory_space<hbm>> -> memref<8192x256xf32, #tpu.memory_space<hbm>>
    tpu.wait_indirect_dma semaphore(%arg11 : memref<!tpu.dma_semaphore, #tpu.memory_space<semaphore_mem>>) src(%dma_wait3A_45 : memref<8192x256xf32, #tpu.memory_space<hbm>>) dst(%dma_wait3A_39 : memref<72x256xf32, #tpu.memory_space<vmem>>)
    "tpu.region"() ({
      %run_scoped3A_108 = tpu.sem_alloc : memref<!tpu.dma_semaphore, #tpu.memory_space<semaphore_mem>>
      %dma_start3A_109 = arith.constant 0 : i32
      %dma_start3A_110 = tpu.memref_slice %arg5[%mul3A_2, %dma_start3A_109] : memref<4608x256xf32, #tpu.memory_space<hbm>> -> memref<144x256xf32, #tpu.memory_space<hbm>>
      %dma_start3A_111 = arith.constant 0 : i32
      %dma_start3A_112 = tpu.memref_slice %arg5[%mul3A_2, %dma_start3A_111] : memref<4608x256xf32, #tpu.memory_space<hbm>> -> memref<144x256xf32, #tpu.memory_space<hbm>>
      tpu.enqueue_dma source(%arg8 : memref<144x256xf32, #tpu.memory_space<vmem>>) target(%dma_start3A_112 : memref<144x256xf32, #tpu.memory_space<hbm>>) target_semaphore(%run_scoped3A_108 : memref<!tpu.dma_semaphore, #tpu.memory_space<semaphore_mem>>)
      %dma_wait3A_113 = arith.constant 0 : i32
      %dma_wait3A_114 = tpu.memref_slice %arg5[%mul3A_2, %dma_wait3A_113] : memref<4608x256xf32, #tpu.memory_space<hbm>> -> memref<144x256xf32, #tpu.memory_space<hbm>>
      %dma_wait3A_115 = arith.constant 0 : i32
      %dma_wait3A_116 = tpu.memref_slice %arg5[%mul3A_2, %dma_wait3A_115] : memref<4608x256xf32, #tpu.memory_space<hbm>> -> memref<144x256xf32, #tpu.memory_space<hbm>>
      tpu.wait_dma2 semaphore(%run_scoped3A_108 : memref<!tpu.dma_semaphore, #tpu.memory_space<semaphore_mem>>) src(%arg8 : memref<144x256xf32, #tpu.memory_space<vmem>>) dst(%dma_wait3A_116 : memref<144x256xf32, #tpu.memory_space<hbm>>)
      tpu.yield
    }) : () -> ()
    %broadcast_in_dim3A = arith.constant 1.000000e+00 : f32
    %broadcast_in_dim3A_46 = vector.broadcast %broadcast_in_dim3A : f32 to vector<16xf32>
    %swap3A = arith.constant 0 : index
    %swap3A_47 = tpu.vector_load %arg9[%swap3A] {strides = array<i32>} : memref<144xf32, #tpu.memory_space<vmem>>, vector<16xf32>,
    %swap3A_48 = vector.shape_cast %swap3A_47 : vector<16xf32> to vector<16xf32>
    %swap3A_49 = vector.shape_cast %broadcast_in_dim3A_46 : vector<16xf32> to vector<16xf32>
    tpu.vector_store %arg9[%swap3A], %swap3A_49 {strides = array<i32>} : memref<144xf32, #tpu.memory_space<vmem>>, vector<16xf32>,
    %broadcast_in_dim3A_50 = arith.constant 1.000000e+00 : f32
    %broadcast_in_dim3A_51 = vector.broadcast %broadcast_in_dim3A_50 : f32 to vector<16xf32>
    %swap3A_52 = arith.constant 16 : index
    %swap3A_53 = tpu.vector_load %arg9[%swap3A_52] {strides = array<i32>} : memref<144xf32, #tpu.memory_space<vmem>>, vector<16xf32>,
    %swap3A_54 = vector.shape_cast %swap3A_53 : vector<16xf32> to vector<16xf32>
    %swap3A_55 = vector.shape_cast %broadcast_in_dim3A_51 : vector<16xf32> to vector<16xf32>
    tpu.vector_store %arg9[%swap3A_52], %swap3A_55 {strides = array<i32>} : memref<144xf32, #tpu.memory_space<vmem>>, vector<16xf32>,
    %broadcast_in_dim3A_56 = arith.constant 1.000000e+00 : f32
    %broadcast_in_dim3A_57 = vector.broadcast %broadcast_in_dim3A_56 : f32 to vector<16xf32>
    %swap3A_58 = arith.constant 32 : index
    %swap3A_59 = tpu.vector_load %arg9[%swap3A_58] {strides = array<i32>} : memref<144xf32, #tpu.memory_space<vmem>>, vector<16xf32>,
    %swap3A_60 = vector.shape_cast %swap3A_59 : vector<16xf32> to vector<16xf32>
    %swap3A_61 = vector.shape_cast %broadcast_in_dim3A_57 : vector<16xf32> to vector<16xf32>
    tpu.vector_store %arg9[%swap3A_58], %swap3A_61 {strides = array<i32>} : memref<144xf32, #tpu.memory_space<vmem>>, vector<16xf32>,
    %broadcast_in_dim3A_62 = arith.constant 1.000000e+00 : f32
    %broadcast_in_dim3A_63 = vector.broadcast %broadcast_in_dim3A_62 : f32 to vector<16xf32>
    %swap3A_64 = arith.constant 48 : index
    %swap3A_65 = tpu.vector_load %arg9[%swap3A_64] {strides = array<i32>} : memref<144xf32, #tpu.memory_space<vmem>>, vector<16xf32>,
    %swap3A_66 = vector.shape_cast %swap3A_65 : vector<16xf32> to vector<16xf32>
    %swap3A_67 = vector.shape_cast %broadcast_in_dim3A_63 : vector<16xf32> to vector<16xf32>
    tpu.vector_store %arg9[%swap3A_64], %swap3A_67 {strides = array<i32>} : memref<144xf32, #tpu.memory_space<vmem>>, vector<16xf32>,
    %broadcast_in_dim3A_68 = arith.constant 1.000000e+00 : f32
    %broadcast_in_dim3A_69 = vector.broadcast %broadcast_in_dim3A_68 : f32 to vector<16xf32>
    %swap3A_70 = arith.constant 64 : index
    %swap3A_71 = tpu.vector_load %arg9[%swap3A_70] {strides = array<i32>} : memref<144xf32, #tpu.memory_space<vmem>>, vector<16xf32>,
    %swap3A_72 = vector.shape_cast %swap3A_71 : vector<16xf32> to vector<16xf32>
    %swap3A_73 = vector.shape_cast %broadcast_in_dim3A_69 : vector<16xf32> to vector<16xf32>
    tpu.vector_store %arg9[%swap3A_70], %swap3A_73 {strides = array<i32>} : memref<144xf32, #tpu.memory_space<vmem>>, vector<16xf32>,
    %broadcast_in_dim3A_74 = arith.constant 1.000000e+00 : f32
    %broadcast_in_dim3A_75 = vector.broadcast %broadcast_in_dim3A_74 : f32 to vector<16xf32>
    %swap3A_76 = arith.constant 80 : index
    %swap3A_77 = tpu.vector_load %arg9[%swap3A_76] {strides = array<i32>} : memref<144xf32, #tpu.memory_space<vmem>>, vector<16xf32>,
    %swap3A_78 = vector.shape_cast %swap3A_77 : vector<16xf32> to vector<16xf32>
    %swap3A_79 = vector.shape_cast %broadcast_in_dim3A_75 : vector<16xf32> to vector<16xf32>
    tpu.vector_store %arg9[%swap3A_76], %swap3A_79 {strides = array<i32>} : memref<144xf32, #tpu.memory_space<vmem>>, vector<16xf32>,
    %broadcast_in_dim3A_80 = arith.constant 1.000000e+00 : f32
    %broadcast_in_dim3A_81 = vector.broadcast %broadcast_in_dim3A_80 : f32 to vector<16xf32>
    %swap3A_82 = arith.constant 96 : index
    %swap3A_83 = tpu.vector_load %arg9[%swap3A_82] {strides = array<i32>} : memref<144xf32, #tpu.memory_space<vmem>>, vector<16xf32>,
    %swap3A_84 = vector.shape_cast %swap3A_83 : vector<16xf32> to vector<16xf32>
    %swap3A_85 = vector.shape_cast %broadcast_in_dim3A_81 : vector<16xf32> to vector<16xf32>
    tpu.vector_store %arg9[%swap3A_82], %swap3A_85 {strides = array<i32>} : memref<144xf32, #tpu.memory_space<vmem>>, vector<16xf32>,
    %broadcast_in_dim3A_86 = arith.constant 1.000000e+00 : f32
    %broadcast_in_dim3A_87 = vector.broadcast %broadcast_in_dim3A_86 : f32 to vector<16xf32>
    %swap3A_88 = arith.constant 112 : index
    %swap3A_89 = tpu.vector_load %arg9[%swap3A_88] {strides = array<i32>} : memref<144xf32, #tpu.memory_space<vmem>>, vector<16xf32>,
    %swap3A_90 = vector.shape_cast %swap3A_89 : vector<16xf32> to vector<16xf32>
    %swap3A_91 = vector.shape_cast %broadcast_in_dim3A_87 : vector<16xf32> to vector<16xf32>
    tpu.vector_store %arg9[%swap3A_88], %swap3A_91 {strides = array<i32>} : memref<144xf32, #tpu.memory_space<vmem>>, vector<16xf32>,
    %broadcast_in_dim3A_92 = arith.constant 1.000000e+00 : f32
    %broadcast_in_dim3A_93 = vector.broadcast %broadcast_in_dim3A_92 : f32 to vector<16xf32>
    %swap3A_94 = arith.constant 128 : index
    %swap3A_95 = tpu.vector_load %arg9[%swap3A_94] {strides = array<i32>} : memref<144xf32, #tpu.memory_space<vmem>>, vector<16xf32>,
    %swap3A_96 = vector.shape_cast %swap3A_95 : vector<16xf32> to vector<16xf32>
    %swap3A_97 = vector.shape_cast %broadcast_in_dim3A_93 : vector<16xf32> to vector<16xf32>
    tpu.vector_store %arg9[%swap3A_94], %swap3A_97 {strides = array<i32>} : memref<144xf32, #tpu.memory_space<vmem>>, vector<16xf32>,
    %eq3A = arith.constant 0 : i32
    %eq3A_98 = arith.cmpi eq, %arg1, %eq3A : i32
    %convert_element_type3A = arith.extui %eq3A_98 : i1 to i32
    %cond3A = arith.constant 0 : i32
    %cond3A_99 = arith.cmpi ne, %convert_element_type3A, %cond3A : i32
    scf.if %cond3A_99 {
      "tpu.region"() ({
        %run_scoped3A_108 = tpu.sem_alloc : memref<!tpu.dma_semaphore, #tpu.memory_space<semaphore_mem>>
        tpu.enqueue_dma source(%arg4 : memref<8192xf32, #tpu.memory_space<hbm>>) target(%arg10 : memref<8192xf32, #tpu.memory_space<vmem_shared>>) target_semaphore(%run_scoped3A_108 : memref<!tpu.dma_semaphore, #tpu.memory_space<semaphore_mem>>)
        tpu.wait_dma2 semaphore(%run_scoped3A_108 : memref<!tpu.dma_semaphore, #tpu.memory_space<semaphore_mem>>) src(%arg4 : memref<8192xf32, #tpu.memory_space<hbm>>) dst(%arg10 : memref<8192xf32, #tpu.memory_space<vmem_shared>>)
        tpu.yield
      }) : () -> ()
    } else {
    }
    %barrier3A = arith.constant 0 : index
    tpu.barrier barrier_id(%barrier3A)
    %run_scoped3A_100 = arith.constant 0 : i32
    "tpu.region"() ({
      %run_scoped3A_108 = tpu.sem_alloc : memref<!tpu.dma_semaphore, #tpu.memory_space<semaphore_mem>>
      %dma_start3A_109 = arith.constant 0 : i32
      %dma_start3A_110 = tpu.memref_slice %arg9[%dma_start3A_109] : memref<144xf32, #tpu.memory_space<vmem>> -> memref<72xf32, #tpu.memory_space<vmem>>
      %dma_start3A_111 = arith.constant 0 : i32
      %dma_start3A_112 = tpu.memref_slice %arg7[%run_scoped3A_100, %dma_start3A_111] : memref<2x72xi32, #tpu.memory_space<vmem>> -> memref<1x72xi32, #tpu.memory_space<vmem>>
      %dma_start3A_113 = tpu.memref_squeeze %dma_start3A_112 : memref<1x72xi32, #tpu.memory_space<vmem>> -> memref<72xi32, #tpu.memory_space<vmem>>
      %dma_start3A_114 = arith.constant 0 : i32
      %dma_start3A_115 = tpu.memref_slice %arg10[%dma_start3A_114] : memref<8192xf32, #tpu.memory_space<vmem_shared>> -> memref<8192xf32, #tpu.memory_space<vmem_shared>>
      tpu.enqueue_indirect_dma source(%dma_start3A_110 : memref<72xf32, #tpu.memory_space<vmem>>) target(%dma_start3A_115 : memref<8192xf32, #tpu.memory_space<vmem_shared>>) offsets(%dma_start3A_113 : memref<72xi32, #tpu.memory_space<vmem>>) semaphore(%run_scoped3A_108 : memref<!tpu.dma_semaphore, #tpu.memory_space<semaphore_mem>>) {add = true}
      %dma_wait3A_116 = arith.constant 0 : i32
      %dma_wait3A_117 = tpu.memref_slice %arg9[%dma_wait3A_116] : memref<144xf32, #tpu.memory_space<vmem>> -> memref<72xf32, #tpu.memory_space<vmem>>
      %dma_wait3A_118 = arith.constant 0 : i32
      %dma_wait3A_119 = tpu.memref_slice %arg7[%run_scoped3A_100, %dma_wait3A_118] : memref<2x72xi32, #tpu.memory_space<vmem>> -> memref<1x72xi32, #tpu.memory_space<vmem>>
      %dma_wait3A_120 = tpu.memref_squeeze %dma_wait3A_119 : memref<1x72xi32, #tpu.memory_space<vmem>> -> memref<72xi32, #tpu.memory_space<vmem>>
      %dma_wait3A_121 = arith.constant 0 : i32
      %dma_wait3A_122 = tpu.memref_slice %arg10[%dma_wait3A_121] : memref<8192xf32, #tpu.memory_space<vmem_shared>> -> memref<8192xf32, #tpu.memory_space<vmem_shared>>
      tpu.wait_indirect_dma semaphore(%run_scoped3A_108 : memref<!tpu.dma_semaphore, #tpu.memory_space<semaphore_mem>>) src(%dma_wait3A_117 : memref<72xf32, #tpu.memory_space<vmem>>) dst(%dma_wait3A_122 : memref<8192xf32, #tpu.memory_space<vmem_shared>>)
      tpu.yield
    }) : () -> ()
    %run_scoped3A_101 = arith.constant 1 : i32
    "tpu.region"() ({
      %run_scoped3A_108 = tpu.sem_alloc : memref<!tpu.dma_semaphore, #tpu.memory_space<semaphore_mem>>
      %dma_start3A_109 = arith.constant 0 : i32
      %dma_start3A_110 = tpu.memref_slice %arg9[%dma_start3A_109] : memref<144xf32, #tpu.memory_space<vmem>> -> memref<72xf32, #tpu.memory_space<vmem>>
      %dma_start3A_111 = arith.constant 0 : i32
      %dma_start3A_112 = tpu.memref_slice %arg7[%run_scoped3A_101, %dma_start3A_111] : memref<2x72xi32, #tpu.memory_space<vmem>> -> memref<1x72xi32, #tpu.memory_space<vmem>>
      %dma_start3A_113 = tpu.memref_squeeze %dma_start3A_112 : memref<1x72xi32, #tpu.memory_space<vmem>> -> memref<72xi32, #tpu.memory_space<vmem>>
      %dma_start3A_114 = arith.constant 0 : i32
      %dma_start3A_115 = tpu.memref_slice %arg10[%dma_start3A_114] : memref<8192xf32, #tpu.memory_space<vmem_shared>> -> memref<8192xf32, #tpu.memory_space<vmem_shared>>
      tpu.enqueue_indirect_dma source(%dma_start3A_110 : memref<72xf32, #tpu.memory_space<vmem>>) target(%dma_start3A_115 : memref<8192xf32, #tpu.memory_space<vmem_shared>>) offsets(%dma_start3A_113 : memref<72xi32, #tpu.memory_space<vmem>>) semaphore(%run_scoped3A_108 : memref<!tpu.dma_semaphore, #tpu.memory_space<semaphore_mem>>) {add = true}
      %dma_wait3A_116 = arith.constant 0 : i32
      %dma_wait3A_117 = tpu.memref_slice %arg9[%dma_wait3A_116] : memref<144xf32, #tpu.memory_space<vmem>> -> memref<72xf32, #tpu.memory_space<vmem>>
      %dma_wait3A_118 = arith.constant 0 : i32
      %dma_wait3A_119 = tpu.memref_slice %arg7[%run_scoped3A_101, %dma_wait3A_118] : memref<2x72xi32, #tpu.memory_space<vmem>> -> memref<1x72xi32, #tpu.memory_space<vmem>>
      %dma_wait3A_120 = tpu.memref_squeeze %dma_wait3A_119 : memref<1x72xi32, #tpu.memory_space<vmem>> -> memref<72xi32, #tpu.memory_space<vmem>>
      %dma_wait3A_121 = arith.constant 0 : i32
      %dma_wait3A_122 = tpu.memref_slice %arg10[%dma_wait3A_121] : memref<8192xf32, #tpu.memory_space<vmem_shared>> -> memref<8192xf32, #tpu.memory_space<vmem_shared>>
      tpu.wait_indirect_dma semaphore(%run_scoped3A_108 : memref<!tpu.dma_semaphore, #tpu.memory_space<semaphore_mem>>) src(%dma_wait3A_117 : memref<72xf32, #tpu.memory_space<vmem>>) dst(%dma_wait3A_122 : memref<8192xf32, #tpu.memory_space<vmem_shared>>)
      tpu.yield
    }) : () -> ()
    %barrier3A_102 = arith.constant 0 : index
    tpu.barrier barrier_id(%barrier3A_102)
    %eq3A_103 = arith.constant 0 : i32
    %eq3A_104 = arith.cmpi eq, %arg1, %eq3A_103 : i32
    %convert_element_type3A_105 = arith.extui %eq3A_104 : i1 to i32
    %cond3A_106 = arith.constant 0 : i32
    %cond3A_107 = arith.cmpi ne, %convert_element_type3A_105, %cond3A_106 : i32
    scf.if %cond3A_107 {
      "tpu.region"() ({
        %run_scoped3A_108 = tpu.sem_alloc : memref<!tpu.dma_semaphore, #tpu.memory_space<semaphore_mem>>
        %dma_start3A_109 = arith.constant 0 : i32
        %dma_start3A_110 = tpu.memref_slice %arg6[%arg0, %dma_start3A_109] : memref<2x8192xf32, #tpu.memory_space<hbm>> -> memref<1x8192xf32, #tpu.memory_space<hbm>>
        %dma_start3A_111 = tpu.memref_squeeze %dma_start3A_110 : memref<1x8192xf32, #tpu.memory_space<hbm>> -> memref<8192xf32, #tpu.memory_space<hbm>>
        tpu.enqueue_dma source(%arg10 : memref<8192xf32, #tpu.memory_space<vmem_shared>>) target(%dma_start3A_111 : memref<8192xf32, #tpu.memory_space<hbm>>) target_semaphore(%run_scoped3A_108 : memref<!tpu.dma_semaphore, #tpu.memory_space<semaphore_mem>>)
        %dma_wait3A_112 = arith.constant 0 : i32
        %dma_wait3A_113 = tpu.memref_slice %arg6[%arg0, %dma_wait3A_112] : memref<2x8192xf32, #tpu.memory_space<hbm>> -> memref<1x8192xf32, #tpu.memory_space<hbm>>
        %dma_wait3A_114 = tpu.memref_squeeze %dma_wait3A_113 : memref<1x8192xf32, #tpu.memory_space<hbm>> -> memref<8192xf32, #tpu.memory_space<hbm>>
        tpu.wait_dma2 semaphore(%run_scoped3A_108 : memref<!tpu.dma_semaphore, #tpu.memory_space<semaphore_mem>>) src(%arg10 : memref<8192xf32, #tpu.memory_space<vmem_shared>>) dst(%dma_wait3A_114 : memref<8192xf32, #tpu.memory_space<hbm>>)
        tpu.yield
      }) : () -> ()
    } else {
    }
    return
  }
}

module attributes {stable_mosaic.version = 14 : i64} {
  func.func @_argmin_body(%arg0: i32, %arg1: memref<256x4608xf32, #tpu.memory_space<vmem>>, %arg2: memref<512x256xf32, #tpu.memory_space<vmem>>, %arg3: memref<1x4608xi32, #tpu.memory_space<vmem>>, %arg4: memref<1x1xf32, #tpu.memory_space<smem>>, %arg5: memref<1x4608xf32, #tpu.memory_space<vmem>>, %arg6: memref<1x4608xi32, #tpu.memory_space<vmem>>, %arg7: memref<1x4608xf32, #tpu.memory_space<vmem>>) attributes {dimension_semantics = [#tpu.dimension_semantics<arbitrary>], iteration_bounds = array<i64: 16>, scalar_prefetch = 0 : i64, scratch_operands = 3 : i64, tpu.core_type = #tpu.core_type<tc>, window_params = [{pipeline_mode = #tpu.pipeline_mode<synchronous>, transform_indices = @transform_0, window_bounds = array<i64: 256, 4608>}, {transform_indices = @transform_1, window_bounds = array<i64: 512, 256>}, {pipeline_mode = #tpu.pipeline_mode<synchronous>, transform_indices = @transform_2, window_bounds = array<i64: 1, 4608>}, {transform_indices = @transform_3, window_bounds = array<i64: 1, 1>}]} {
    %get3A = arith.constant 0 : index
    %get3A_0 = arith.constant 0 : index
    %get3A_1 = vector.load %arg2[%get3A, %get3A_0] : memref<512x256xf32, #tpu.memory_space<vmem>>, vector<512x256xf32>
    %mul3A = arith.mulf %get3A_1, %get3A_1 : vector<512x256xf32>
    %reduce_sum3A = arith.constant dense<0.000000e+00> : vector<512xf32>
    %reduce_sum3A_2 = vector.multi_reduction <add>, %mul3A, %reduce_sum3A [1] : vector<512x256xf32> to vector<512xf32>
    %broadcast_in_dim3A = vector.shape_cast %reduce_sum3A_2 : vector<512xf32> to vector<512x1xf32>
    %get3A_3 = arith.constant 0 : index
    %get3A_4 = arith.constant 0 : index
    %get3A_5 = vector.load %arg1[%get3A_3, %get3A_4] : memref<256x4608xf32, #tpu.memory_space<vmem>>, vector<256x4608xf32>
    %dot_general3A = arith.constant dense<0.000000e+00> : vector<512x4608xf32>
    %dot_general3A_6 = tpu.matmul %get3A_1, %get3A_5, %dot_general3A {dimension_numbers = #tpu.dot_dimension_numbers<[1], [0], [0], [1], [0, 0, 1, 1], [], []>, transpose_lhs_hint = false} : vector<512x256xf32>, vector<256x4608xf32>, vector<512x4608xf32> -> vector<512x4608xf32>
    %add3A = vector.broadcast %broadcast_in_dim3A : vector<512x1xf32> to vector<512x4608xf32>
    %add3A_7 = arith.addf %add3A, %dot_general3A_6 : vector<512x4608xf32>
    %reduce_min3A = arith.constant dense<0x7F800000> : vector<4608xf32>
    %reduce_min3A_8 = vector.multi_reduction <minimumf>, %add3A_7, %reduce_min3A [0] : vector<512x4608xf32> to vector<4608xf32>
    %broadcast_in_dim3A_9 = vector.shape_cast %reduce_min3A_8 : vector<4608xf32> to vector<1x4608xf32>
    %eq3A = vector.broadcast %broadcast_in_dim3A_9 : vector<1x4608xf32> to vector<512x4608xf32>
    %eq3A_10 = arith.cmpf oeq, %add3A_7, %eq3A : vector<512x4608xf32>
    %jit3A = arith.constant 1.000000e+00 : f32
    %jit3A_11 = arith.constant 0.000000e+00 : f32
    %broadcast_in_dim3A_12 = vector.broadcast %jit3A : f32 to vector<512x4608xf32>
    %broadcast_in_dim3A_13 = vector.broadcast %jit3A_11 : f32 to vector<512x4608xf32>
    %select_n3A = arith.select %eq3A_10, %broadcast_in_dim3A_12, %broadcast_in_dim3A_13 : vector<512x4608xi1>, vector<512x4608xf32>
    %iota3A = tpu.iota {dimensions = array<i32: 1>} : vector<8x512xi32>
    %iota3A_14 = tpu.iota {dimensions = array<i32: 0>} : vector<8x512xi32>
    %and3A = arith.constant 63 : i32
    %and3A_15 = vector.broadcast %and3A : i32 to vector<8x512xi32>
    %and3A_16 = arith.andi %iota3A, %and3A_15 : vector<8x512xi32>
    %convert_element_type3A = arith.sitofp %and3A_16 : vector<8x512xi32> to vector<8x512xf32>
    %shift_right_arithmetic3A = arith.constant 6 : i32
    %shift_right_arithmetic3A_17 = vector.broadcast %shift_right_arithmetic3A : i32 to vector<8x512xi32>
    %shift_right_arithmetic3A_18 = arith.shrsi %iota3A, %shift_right_arithmetic3A_17 : vector<8x512xi32>
    %convert_element_type3A_19 = arith.sitofp %shift_right_arithmetic3A_18 : vector<8x512xi32> to vector<8x512xf32>
    %eq3A_20 = arith.constant 0 : i32
    %eq3A_21 = vector.broadcast %eq3A_20 : i32 to vector<8x512xi32>
    %eq3A_22 = arith.cmpi eq, %iota3A_14, %eq3A_21 : vector<8x512xi32>
    %eq3A_23 = arith.constant 1 : i32
    %eq3A_24 = vector.broadcast %eq3A_23 : i32 to vector<8x512xi32>
    %eq3A_25 = arith.cmpi eq, %iota3A_14, %eq3A_24 : vector<8x512xi32>
    %eq3A_26 = arith.constant 2 : i32
    %eq3A_27 = vector.broadcast %eq3A_26 : i32 to vector<8x512xi32>
    %eq3A_28 = arith.cmpi eq, %iota3A_14, %eq3A_27 : vector<8x512xi32>
    %jit3A_29 = arith.constant 1.000000e+00 : f32
    %jit3A_30 = arith.constant 0.000000e+00 : f32
    %broadcast_in_dim3A_31 = vector.broadcast %jit3A_29 : f32 to vector<8x512xf32>
    %broadcast_in_dim3A_32 = vector.broadcast %jit3A_30 : f32 to vector<8x512xf32>
    %select_n3A_33 = arith.select %eq3A_28, %broadcast_in_dim3A_31, %broadcast_in_dim3A_32 : vector<8x512xi1>, vector<8x512xf32>
    %select_n3A_34 = arith.select %eq3A_25, %convert_element_type3A_19, %select_n3A_33 : vector<8x512xi1>, vector<8x512xf32>
    %select_n3A_35 = arith.select %eq3A_22, %convert_element_type3A, %select_n3A_34 : vector<8x512xi1>, vector<8x512xf32>
    %dot_general3A_36 = arith.constant dense<0.000000e+00> : vector<8x4608xf32>
    %dot_general3A_37 = tpu.matmul %select_n3A_35, %select_n3A, %dot_general3A_36 {dimension_numbers = #tpu.dot_dimension_numbers<[1], [0], [0], [1], [0, 0, 1, 1], [], []>, transpose_lhs_hint = false} : vector<8x512xf32>, vector<512x4608xf32>, vector<8x4608xf32> -> vector<8x4608xf32>
    %slice3A = vector.extract_strided_slice %dot_general3A_37 {offsets = [0, 0], sizes = [1, 4608], strides = [1, 1]} : vector<8x4608xf32> to vector<1x4608xf32>
    %slice3A_38 = vector.extract_strided_slice %dot_general3A_37 {offsets = [1, 0], sizes = [1, 4608], strides = [1, 1]} : vector<8x4608xf32> to vector<1x4608xf32>
    %mul3A_39 = arith.constant 6.400000e+01 : f32
    %mul3A_40 = vector.broadcast %mul3A_39 : f32 to vector<1x4608xf32>
    %mul3A_41 = arith.mulf %mul3A_40, %slice3A_38 : vector<1x4608xf32>
    %add3A_42 = arith.addf %slice3A, %mul3A_41 : vector<1x4608xf32>
    %add3A_43 = arith.constant 5.000000e-01 : f32
    %add3A_44 = vector.broadcast %add3A_43 : f32 to vector<1x4608xf32>
    %add3A_45 = arith.addf %add3A_42, %add3A_44 : vector<1x4608xf32>
    %floor3A = math.floor %add3A_45 : vector<1x4608xf32>
    %slice3A_46 = vector.extract_strided_slice %dot_general3A_37 {offsets = [2, 0], sizes = [1, 4608], strides = [1, 1]} : vector<8x4608xf32> to vector<1x4608xf32>
    %reduce_max3A = vector.shape_cast %slice3A_46 : vector<1x4608xf32> to vector<1x1x4608xf32>
    %reduce_max3A_47 = arith.constant dense<0xFF800000> : vector<1xf32>
    %reduce_max3A_48 = vector.multi_reduction <maximumf>, %reduce_max3A, %reduce_max3A_47 [1, 2] : vector<1x1x4608xf32> to vector<1xf32>
    %reduce_max3A_49 = vector.shape_cast %reduce_max3A_48 : vector<1xf32> to vector<1x1x1xf32>
    %reduce_max3A_50 = vector.extract %reduce_max3A_49[0, 0, 0] : f32 from vector<1x1x1xf32>
    %gt3A = arith.constant 1.500000e+00 : f32
    %gt3A_51 = arith.cmpf ogt, %reduce_max3A_50, %gt3A : f32
    %convert_element_type3A_52 = arith.extui %gt3A_51 : i1 to i32
    %cond3A = arith.constant 0 : i32
    %cond3A_53 = arith.cmpi ne, %convert_element_type3A_52, %cond3A : i32
    scf.if %cond3A_53 {
      %iota3A_81 = tpu.iota {dimensions = array<i32: 0>} : vector<512x4608xi32>
      %convert_element_type3A_82 = arith.sitofp %iota3A_81 : vector<512x4608xi32> to vector<512x4608xf32>
      %eq3A_83 = vector.broadcast %broadcast_in_dim3A_9 : vector<1x4608xf32> to vector<512x4608xf32>
      %eq3A_84 = arith.cmpf oeq, %add3A_7, %eq3A_83 : vector<512x4608xf32>
      %jit3A_85 = arith.constant 8.192000e+03 : f32
      %broadcast_in_dim3A_86 = vector.broadcast %jit3A_85 : f32 to vector<512x4608xf32>
      %select_n3A_87 = arith.select %eq3A_84, %convert_element_type3A_82, %broadcast_in_dim3A_86 : vector<512x4608xi1>, vector<512x4608xf32>
      %reduce_min3A_88 = arith.constant dense<0x7F800000> : vector<4608xf32>
      %reduce_min3A_89 = vector.multi_reduction <minimumf>, %select_n3A_87, %reduce_min3A_88 [0] : vector<512x4608xf32> to vector<4608xf32>
      %broadcast_in_dim3A_90 = vector.shape_cast %reduce_min3A_89 : vector<4608xf32> to vector<1x4608xf32>
      %swap3A = arith.constant 0 : index
      %swap3A_91 = arith.constant 0 : index
      %swap3A_92 = vector.load %arg7[%swap3A, %swap3A_91] : memref<1x4608xf32, #tpu.memory_space<vmem>>, vector<1x4608xf32>
      tpu.vector_store %arg7[%swap3A, %swap3A_91], %broadcast_in_dim3A_90 {strides = array<i32>} : memref<1x4608xf32, #tpu.memory_space<vmem>>, vector<1x4608xf32>,
    } else {
    }
    %reduce_max3A_54 = vector.shape_cast %slice3A_46 : vector<1x4608xf32> to vector<1x1x4608xf32>
    %reduce_max3A_55 = arith.constant dense<0xFF800000> : vector<1xf32>
    %reduce_max3A_56 = vector.multi_reduction <maximumf>, %reduce_max3A_54, %reduce_max3A_55 [1, 2] : vector<1x1x4608xf32> to vector<1xf32>
    %reduce_max3A_57 = vector.shape_cast %reduce_max3A_56 : vector<1xf32> to vector<1x1x1xf32>
    %reduce_max3A_58 = vector.extract %reduce_max3A_57[0, 0, 0] : f32 from vector<1x1x1xf32>
    %le3A = arith.constant 1.500000e+00 : f32
    %le3A_59 = arith.cmpf ole, %reduce_max3A_58, %le3A : f32
    %convert_element_type3A_60 = arith.extui %le3A_59 : i1 to i32
    %cond3A_61 = arith.constant 0 : i32
    %cond3A_62 = arith.cmpi ne, %convert_element_type3A_60, %cond3A_61 : i32
    scf.if %cond3A_62 {
      %swap3A = arith.constant 0 : index
      %swap3A_81 = arith.constant 0 : index
      %swap3A_82 = vector.load %arg7[%swap3A, %swap3A_81] : memref<1x4608xf32, #tpu.memory_space<vmem>>, vector<1x4608xf32>
      tpu.vector_store %arg7[%swap3A, %swap3A_81], %floor3A {strides = array<i32>} : memref<1x4608xf32, #tpu.memory_space<vmem>>, vector<1x4608xf32>,
    } else {
    }
    %get3A_63 = arith.constant 0 : index
    %get3A_64 = arith.constant 0 : index
    %get3A_65 = vector.load %arg7[%get3A_63, %get3A_64] : memref<1x4608xf32, #tpu.memory_space<vmem>>, vector<1x4608xf32>
    %eq3A_66 = arith.constant 0 : i32
    %eq3A_67 = arith.cmpi eq, %arg0, %eq3A_66 : i32
    %convert_element_type3A_68 = arith.extui %eq3A_67 : i1 to i32
    %cond3A_69 = arith.constant 0 : i32
    %cond3A_70 = arith.cmpi ne, %convert_element_type3A_68, %cond3A_69 : i32
    scf.if %cond3A_70 {
      %swap3A = arith.constant 0 : index
      %swap3A_81 = arith.constant 0 : index
      %swap3A_82 = vector.load %arg5[%swap3A, %swap3A_81] : memref<1x4608xf32, #tpu.memory_space<vmem>>, vector<1x4608xf32>
      tpu.vector_store %arg5[%swap3A, %swap3A_81], %broadcast_in_dim3A_9 {strides = array<i32>} : memref<1x4608xf32, #tpu.memory_space<vmem>>, vector<1x4608xf32>,
      %convert_element_type3A_83 = arith.fptosi %get3A_65 : vector<1x4608xf32> to vector<1x4608xi32>
      %swap3A_84 = arith.constant 0 : index
      %swap3A_85 = arith.constant 0 : index
      %swap3A_86 = vector.load %arg6[%swap3A_84, %swap3A_85] : memref<1x4608xi32, #tpu.memory_space<vmem>>, vector<1x4608xi32>
      tpu.vector_store %arg6[%swap3A_84, %swap3A_85], %convert_element_type3A_83 {strides = array<i32>} : memref<1x4608xi32, #tpu.memory_space<vmem>>, vector<1x4608xi32>,
    } else {
    }
    %gt3A_71 = arith.constant 0 : i32
    %gt3A_72 = arith.cmpi sgt, %arg0, %gt3A_71 : i32
    %convert_element_type3A_73 = arith.extui %gt3A_72 : i1 to i32
    %cond3A_74 = arith.constant 0 : i32
    %cond3A_75 = arith.cmpi ne, %convert_element_type3A_73, %cond3A_74 : i32
    scf.if %cond3A_75 {
      %get3A_81 = arith.constant 0 : index
      %get3A_82 = arith.constant 0 : index
      %get3A_83 = vector.load %arg5[%get3A_81, %get3A_82] : memref<1x4608xf32, #tpu.memory_space<vmem>>, vector<1x4608xf32>
      %lt3A = arith.cmpf olt, %broadcast_in_dim3A_9, %get3A_83 : vector<1x4608xf32>
      %convert_element_type3A_84 = arith.fptosi %get3A_65 : vector<1x4608xf32> to vector<1x4608xi32>
      %mul3A_85 = arith.constant 512 : i32
      %mul3A_86 = arith.muli %arg0, %mul3A_85 : i32
      %add3A_87 = vector.broadcast %mul3A_86 : i32 to vector<1x4608xi32>
      %add3A_88 = arith.addi %convert_element_type3A_84, %add3A_87 : vector<1x4608xi32>
      %get3A_89 = arith.constant 0 : index
      %get3A_90 = arith.constant 0 : index
      %get3A_91 = vector.load %arg6[%get3A_89, %get3A_90] : memref<1x4608xi32, #tpu.memory_space<vmem>>, vector<1x4608xi32>
      %select_n3A_92 = arith.select %lt3A, %add3A_88, %get3A_91 : vector<1x4608xi1>, vector<1x4608xi32>
      %swap3A = arith.constant 0 : index
      %swap3A_93 = arith.constant 0 : index
      %swap3A_94 = vector.load %arg6[%swap3A, %swap3A_93] : memref<1x4608xi32, #tpu.memory_space<vmem>>, vector<1x4608xi32>
      tpu.vector_store %arg6[%swap3A, %swap3A_93], %select_n3A_92 {strides = array<i32>} : memref<1x4608xi32, #tpu.memory_space<vmem>>, vector<1x4608xi32>,
      %get3A_95 = arith.constant 0 : index
      %get3A_96 = arith.constant 0 : index
      %get3A_97 = vector.load %arg5[%get3A_95, %get3A_96] : memref<1x4608xf32, #tpu.memory_space<vmem>>, vector<1x4608xf32>
      %select_n3A_98 = arith.select %lt3A, %broadcast_in_dim3A_9, %get3A_97 : vector<1x4608xi1>, vector<1x4608xf32>
      %swap3A_99 = arith.constant 0 : index
      %swap3A_100 = arith.constant 0 : index
      %swap3A_101 = vector.load %arg5[%swap3A_99, %swap3A_100] : memref<1x4608xf32, #tpu.memory_space<vmem>>, vector<1x4608xf32>
      tpu.vector_store %arg5[%swap3A_99, %swap3A_100], %select_n3A_98 {strides = array<i32>} : memref<1x4608xf32, #tpu.memory_space<vmem>>, vector<1x4608xf32>,
    } else {
    }
    %eq3A_76 = arith.constant 15 : i32
    %eq3A_77 = arith.cmpi eq, %arg0, %eq3A_76 : i32
    %convert_element_type3A_78 = arith.extui %eq3A_77 : i1 to i32
    %cond3A_79 = arith.constant 0 : i32
    %cond3A_80 = arith.cmpi ne, %convert_element_type3A_78, %cond3A_79 : i32
    scf.if %cond3A_80 {
      %get3A_81 = arith.constant 0 : index
      %get3A_82 = arith.constant 0 : index
      %get3A_83 = vector.load %arg1[%get3A_81, %get3A_82] : memref<256x4608xf32, #tpu.memory_space<vmem>>, vector<256x4608xf32>
      %get3A_84 = arith.constant 0 : index
      %get3A_85 = arith.constant 0 : index
      %get3A_86 = vector.load %arg1[%get3A_84, %get3A_85] : memref<256x4608xf32, #tpu.memory_space<vmem>>, vector<256x4608xf32>
      %mul3A_87 = arith.mulf %get3A_83, %get3A_86 : vector<256x4608xf32>
      %reduce_sum3A_88 = arith.constant dense<0.000000e+00> : vector<4608xf32>
      %reduce_sum3A_89 = vector.multi_reduction <add>, %mul3A_87, %reduce_sum3A_88 [0] : vector<256x4608xf32> to vector<4608xf32>
      %broadcast_in_dim3A_90 = vector.shape_cast %reduce_sum3A_89 : vector<4608xf32> to vector<1x4608xf32>
      %mul3A_91 = arith.constant 2.500000e-01 : f32
      %mul3A_92 = vector.broadcast %mul3A_91 : f32 to vector<1x4608xf32>
      %mul3A_93 = arith.mulf %broadcast_in_dim3A_90, %mul3A_92 : vector<1x4608xf32>
      %get3A_94 = arith.constant 0 : index
      %get3A_95 = arith.constant 0 : index
      %get3A_96 = vector.load %arg6[%get3A_94, %get3A_95] : memref<1x4608xi32, #tpu.memory_space<vmem>>, vector<1x4608xi32>
      %swap3A = arith.constant 0 : index
      %swap3A_97 = arith.constant 0 : index
      %swap3A_98 = vector.load %arg3[%swap3A, %swap3A_97] : memref<1x4608xi32, #tpu.memory_space<vmem>>, vector<1x4608xi32>
      tpu.vector_store %arg3[%swap3A, %swap3A_97], %get3A_96 {strides = array<i32>} : memref<1x4608xi32, #tpu.memory_space<vmem>>, vector<1x4608xi32>,
      %get3A_99 = arith.constant 0 : index
      %get3A_100 = arith.constant 0 : index
      %get3A_101 = vector.load %arg5[%get3A_99, %get3A_100] : memref<1x4608xf32, #tpu.memory_space<vmem>>, vector<1x4608xf32>
      %add3A_102 = arith.addf %get3A_101, %mul3A_93 : vector<1x4608xf32>
      %reduce_sum3A_103 = vector.shape_cast %add3A_102 : vector<1x4608xf32> to vector<1x1x4608xf32>
      %reduce_sum3A_104 = arith.constant dense<0.000000e+00> : vector<1xf32>
      %reduce_sum3A_105 = vector.multi_reduction <add>, %reduce_sum3A_103, %reduce_sum3A_104 [1, 2] : vector<1x1x4608xf32> to vector<1xf32>
      %reduce_sum3A_106 = vector.shape_cast %reduce_sum3A_105 : vector<1xf32> to vector<1x1x1xf32>
      %reduce_sum3A_107 = vector.extract %reduce_sum3A_106[0, 0, 0] : f32 from vector<1x1x1xf32>
      %mul3A_108 = arith.constant 1.05963818E-6 : f32
      %mul3A_109 = arith.mulf %reduce_sum3A_107, %mul3A_108 : f32
      %swap3A_110 = arith.constant 0 : index
      %swap3A_111 = arith.constant 0 : index
      %swap3A_112 = memref.load %arg4[%swap3A_110, %swap3A_111] : memref<1x1xf32, #tpu.memory_space<smem>>
      memref.store %mul3A_109, %arg4[%swap3A_110, %swap3A_111] : memref<1x1xf32, #tpu.memory_space<smem>>
    } else {
    }
    return
  }
  func.func @transform_0(%arg0: i32) -> (i32, i32) {
    %c0_i32 = arith.constant 0 : i32
    %c0_i32_0 = arith.constant 0 : i32
    %c0_i32_1 = arith.constant 0 : i32
    return %c0_i32, %c0_i32_0 : i32, i32
  }
  func.func @transform_1(%arg0: i32) -> (i32, i32) {
    %c0_i32 = arith.constant 0 : i32
    %c0_i32_0 = arith.constant 0 : i32
    return %arg0, %c0_i32 : i32, i32
  }
  func.func @transform_2(%arg0: i32) -> (i32, i32) {
    %c0_i32 = arith.constant 0 : i32
    %c0_i32_0 = arith.constant 0 : i32
    %c0_i32_1 = arith.constant 0 : i32
    return %c0_i32, %c0_i32_0 : i32, i32
  }
  func.func @transform_3(%arg0: i32) -> (i32, i32) {
    %c0_i32 = arith.constant 0 : i32
    %c0_i32_0 = arith.constant 0 : i32
    %c0_i32_1 = arith.constant 0 : i32
    return %c0_i32, %c0_i32_0 : i32, i32
  }
}

module attributes {stable_mosaic.version = 14 : i64} {
  func.func @_perp_body(%arg0: memref<2x8192xf32, #tpu.memory_space<vmem>>, %arg1: memref<1x1xf32, #tpu.memory_space<smem>>) attributes {dimension_semantics = [], scalar_prefetch = 0 : i64, scratch_operands = 0 : i64, tpu.core_type = #tpu.core_type<tc>} {
    %get3A = arith.constant 0 : index
    %get3A_0 = arith.constant 0 : index
    %get3A_1 = vector.load %arg0[%get3A, %get3A_0] : memref<2x8192xf32, #tpu.memory_space<vmem>>, vector<1x8192xf32>
    %get3A_2 = arith.constant 1 : index
    %get3A_3 = arith.constant 0 : index
    %get3A_4 = vector.load %arg0[%get3A_2, %get3A_3] : memref<2x8192xf32, #tpu.memory_space<vmem>>, vector<1x8192xf32>
    %add3A = arith.addf %get3A_1, %get3A_4 : vector<1x8192xf32>
    %mul3A = arith.constant 2.17013891E-4 : f32
    %mul3A_5 = vector.broadcast %mul3A : f32 to vector<1x8192xf32>
    %mul3A_6 = arith.mulf %add3A, %mul3A_5 : vector<1x8192xf32>
    %add3A_7 = arith.constant 1.000000e-10 : f32
    %add3A_8 = vector.broadcast %add3A_7 : f32 to vector<1x8192xf32>
    %add3A_9 = arith.addf %mul3A_6, %add3A_8 : vector<1x8192xf32>
    %log3A = math.log %add3A_9 : vector<1x8192xf32>
    %mul3A_10 = arith.mulf %mul3A_6, %log3A : vector<1x8192xf32>
    %reduce_sum3A = vector.shape_cast %mul3A_10 : vector<1x8192xf32> to vector<1x1x8192xf32>
    %reduce_sum3A_11 = arith.constant dense<0.000000e+00> : vector<1xf32>
    %reduce_sum3A_12 = vector.multi_reduction <add>, %reduce_sum3A, %reduce_sum3A_11 [1, 2] : vector<1x1x8192xf32> to vector<1xf32>
    %reduce_sum3A_13 = vector.shape_cast %reduce_sum3A_12 : vector<1xf32> to vector<1x1x1xf32>
    %reduce_sum3A_14 = vector.extract %reduce_sum3A_13[0, 0, 0] : f32 from vector<1x1x1xf32>
    %neg3A = arith.constant 0.000000e+00 : f32
    %neg3A_15 = arith.subf %neg3A, %reduce_sum3A_14 : f32
    %exp3A = math.exp %neg3A_15 : f32
    %swap3A = arith.constant 0 : index
    %swap3A_16 = arith.constant 0 : index
    %swap3A_17 = memref.load %arg1[%swap3A, %swap3A_16] : memref<1x1xf32, #tpu.memory_space<smem>>
    memref.store %exp3A, %arg1[%swap3A, %swap3A_16] : memref<1x1xf32, #tpu.memory_space<smem>>
    return
  }
}

</mosaic_0001>

<sc_bundles>
// kernel: kernel.5.cloned.1.call-start
scs
__scs_entry_jumppad:
0x0: {  	(pc) =	sbr.rel $0x88, $3  }
0x1: {  	(tag) =	ssettag $0x0;
	lr =	simm.s32 $0x1  }
0x2: {  	[smem:$0x3F9F] =	sst lr;
	_ =	strace $0xD0000000  }
0x3: {  	_ = 	snop  }
0x4: {  	_ = 	snop  }
0x5: {  	_ = 	snop  }
0x6: {  	_ = 	snop  }
0x7: {  	_ = 	snop  }
__scs_overlays_trampoline_lowered:
0x8: {  	[smem:$0x3FAE] =	sst s0  }
0x9: {  	[smem:$0x3FAF] =	sst s1  }
0xa: {  	[smem:$0x3FB0] =	sst s2  }
0xb: {  	[smem:$0x3FB1] =	sst s3  }
0xc: {  	[smem:$0x3FB2] =	sst s4  }
0xd: {  	[smem:$0x3FB3] =	sst s5  }
0xe: {  	[smem:$0x3FB4] =	sst s6  }
0xf: {  	[smem:$0x3FB5] =	sst s7  }
0x10: {  	[smem:$0x3FB6] =	sst s8  }
0x11: {  	[smem:$0x3FB7] =	sst s9;
	s0 =	simm.s32 @!p0 $0x0  }
0x12: {  	s1 =	sld [smem:$0x3F9D];
	s0 =	simm.s32 @p0 $0x1  }
0x13: {  	[smem:$0x3FB8] =	sst s0;
	s0 =	simm.s32 @!p1 $0x0  }
0x14: {  	s2 =	sld [smem:$0x3F9C];
	s0 =	simm.s32 @p1 $0x1  }
0x15: {  	[smem:$0x3FB9] =	sst s0;
	s0 =	simm.s32 @!p2 $0x0  }
0x16: {  	s3 =	sld [smem:$0x3FDB];
	s0 =	simm.s32 @p2 $0x1  }
0x17: {  	s4 =	simm.s32 $0x1BF5;
	[smem:$0x3FBB] =	sst s0  }
0x18: {  	s0 =	sld [smem:$0x3F9E];
	_ =	swait.ge [sflag:s4], $0x0  }
0x19: {  	s7 =	sld [smem:$0x3F9F]  }
0x1a: {  	s8 =	sadd.s32 $0xFFFFE003, lr  }
0x1b: {  	s9 =	sadd.s32 $0xFFFFFEF7, lr;
	s5 =	simm.s32 $0xFFFFFFFF;
	p2 =	slt.u32 s8, $0xFFFFF086  }
0x1c: {  	p1 =	slt.u32 s9, $0xF7A;
	s5 =	simm.s32 @!p2 $0x0  }
0x1d: {  	s5 =	simm.s32 @p1 $0x1;
	p0 =	seq.s32 s7, s2  }
0x1e: {  	s7 =	smul.u32 @!p0 $0xF7A, s2;
	p2 =	seq.s32 @!p0 s5, $0x0  }
0x1f: {  	s9 =	smul.u32 $0xF7A, s1;
	s8 =	simm.s32 @!p0 $0x1BF5;
	p2 =	por !p2, p0  }
0x20: {  	[sflag:s8] =	ssyncset.s32 @!p0 $0xFFFFF086;
	s6 =	sadd.s32 @!p0 s3, s7;
	s7 =	simm.s32 @!p0 $0x108  }
0x21: {  	s3 =	sadd.s32 s3, s9;
	s6 =	sadd.s32 @!p0 $0x88, s6;
	s7 =	simm.s32 @p2 $0x1082  }
0x22: {  	[simem:s7], [sflag:s8] =	dma.local @!p0 [hbm:s6], $0xF7A  }
0x23: {  	s9 =	sor.u32 $0xD0000000, s2;
	s6 =	simm.s32 $0x108;
	_ =	swait.ge @!p0 [sflag:s8], $0x0  }
0x24: {  	s3 =	sadd.s32 $0x88, s3;
	s6 =	simm.s32 @!p1 $0x1082;
	[sflag:s4] =	ssyncset.s32 $0xFFFFF086  }
0x25: {  	[simem:s6], [sflag:s4] =	dma.local [hbm:s3], $0xF7A  }
0x26: {  	[smem:$0x3F9F] =	sst s1;
	(tag) =	ssettag s2;
	_ =	strace s9  }
0x27: {  	s1 =	sld [smem:$0x3FAF]  }
0x28: {  	s2 =	sld [smem:$0x3FB0]  }
0x29: {  	s4 =	sld [smem:$0x3FB2]  }
0x2a: {  	p0 =	seq.s32 s5, $0x0;
	s5 =	sld [smem:$0x3FB3]  }
0x2b: {  	s6 =	sld [smem:$0x3FB4]  }
0x2c: {  	s7 =	sld [smem:$0x3FB5]  }
0x2d: {  	s3 =	simm.s32 $0x108;
	s8 =	sld [smem:$0x3FB6]  }
0x2e: {  	s3 =	simm.s32 @!p0 $0x1082;
	s9 =	sld [smem:$0x3FB7]  }
0x2f: {  	lr =	sadd.s32 s0, s3;
	s0 =	sld [smem:$0x3FAE]  }
0x30: {  	s3 =	sld [smem:$0x3FB1]  }
0x31: {  	[smem:$0x3FBA] =	sst s10  }
0x32: {  	s10 =	sld [smem:$0x3FB8];
	_ =	sdelay $0x3  }
0x33: {  	p0 =	seq.s32 s10, $0x1;
	s10 =	sld [smem:$0x3FBA];
	_ =	sdelay $0x3  }
0x34: {  	[smem:$0x3FBA] =	sst s10  }
0x35: {  	s10 =	sld [smem:$0x3FB9];
	_ =	sdelay $0x3  }
0x36: {  	p1 =	seq.s32 s10, $0x1;
	s10 =	sld [smem:$0x3FBA];
	_ =	sdelay $0x3  }
0x37: {  	[smem:$0x3FBA] =	sst s10  }
0x38: {  	s10 =	sld [smem:$0x3FBB]  }
0x39: {  	_ = 	snop;
	(pc) =	sbr.ind lr, $3  }
0x3a: {  	_ = 	snop  }
0x3b: {  	_ = 	snop  }
0x3c: {  	p2 =	seq.s32 s10, $0x1;
	s10 =	sld [smem:$0x3FBA]  }
0x3d: {  	_ =	shalt  }
0x3e: {  	_ =	shalt  }
0x3f: {  	_ =	shalt  }
0x40: {  	_ =	shalt  }
0x41: {  	_ =	shalt  }
0x42: {  	_ =	shalt  }
0x43: {  	_ =	shalt  }
0x44: {  	_ =	shalt  }
0x45: {  	_ =	shalt  }
0x46: {  	_ =	shalt  }
0x47: {  	_ =	shalt  }
0x48: {  	_ =	shalt  }
0x49: {  	_ =	shalt  }
0x4a: {  	_ =	shalt  }
0x4b: {  	_ =	shalt  }
0x4c: {  	_ =	shalt  }
0x4d: {  	_ =	shalt  }
0x4e: {  	_ =	shalt  }
0x4f: {  	_ =	shalt  }
0x50: {  	_ =	shalt  }
0x51: {  	_ =	shalt  }
0x52: {  	_ =	shalt  }
0x53: {  	_ =	shalt  }
0x54: {  	_ =	shalt  }
0x55: {  	_ =	shalt  }
0x56: {  	_ =	shalt  }
0x57: {  	_ =	shalt  }
0x58: {  	_ =	shalt  }
0x59: {  	_ =	shalt  }
0x5a: {  	_ =	shalt  }
0x5b: {  	_ =	shalt  }
0x5c: {  	_ =	shalt  }
0x5d: {  	_ =	shalt  }
0x5e: {  	_ =	shalt  }
0x5f: {  	_ =	shalt  }
0x60: {  	_ =	shalt  }
0x61: {  	_ =	shalt  }
0x62: {  	_ =	shalt  }
0x63: {  	_ =	shalt  }
0x64: {  	_ =	shalt  }
0x65: {  	_ =	shalt  }
0x66: {  	_ =	shalt  }
0x67: {  	_ =	shalt  }
0x68: {  	_ =	shalt  }
0x69: {  	_ =	shalt  }
0x6a: {  	_ =	shalt  }
0x6b: {  	_ =	shalt  }
0x6c: {  	_ =	shalt  }
0x6d: {  	_ =	shalt  }
0x6e: {  	_ =	shalt  }
0x6f: {  	_ =	shalt  }
0x70: {  	_ =	shalt  }
0x71: {  	_ =	shalt  }
0x72: {  	_ =	shalt  }
0x73: {  	_ =	shalt  }
0x74: {  	_ =	shalt  }
0x75: {  	_ =	shalt  }
0x76: {  	_ =	shalt  }
0x77: {  	_ =	shalt  }
0x78: {  	_ =	shalt  }
0x79: {  	_ =	shalt  }
0x7a: {  	_ =	shalt  }
0x7b: {  	_ =	shalt  }
0x7c: {  	_ =	shalt  }
0x7d: {  	_ =	shalt  }
0x7e: {  	_ =	shalt  }
0x7f: {  	_ =	shalt  }
0x80: {  	_ =	shalt  }
0x81: {  	_ =	shalt  }
0x82: {  	_ =	shalt  }
0x83: {  	_ =	shalt  }
0x84: {  	_ =	shalt  }
0x85: {  	_ =	shalt  }
0x86: {  	_ =	shalt  }
0x87: {  	_ =	shalt  }
.Lfunc_end0:
.L_simem_size_0:
called_computation_lowered:
.L_overlay_start_0:
0x88: {  	s2 =	sld [smem:$0x3FD9]  }
0x89: {  	s3 =	sld [smem:$0x3FFE];
	_ =	sdelay $0x1  }
0x8a: {  	s1 =	srdreg.scid  }
0x8b: {  	s0 =	sand.u32 $0x1, s1  }
0x8c: {  	s14 =	sshll.u32 s0, $0xA;
	s2 =	sadd.s32 s3, s2  }
0x8d: {  	s2 =	sadd.s32 s2, s14  }
0x8e: {  	[smem:$0x3FC6] =	sst s2  }
0x8f: {  	_ = 	snop  }
0x90: {  	s2 =	sld [smem:$0x3FD0];
	_ =	sdelay $0x2  }
0x91: {  	s4 =	simm.s32 $0xA;
	s5 =	simm.s32 $0x10;
	s15 =	sld [smem:$0x3FC8]  }
0x92: {  	[smem:s5], [sflag:s4] =	dma.local [hbm:s2], $0x1  }
0x93: {  	_ =	swait.eq [sflag:s4], $0x1  }
0x94: {  	[sflag:s4] =	ssyncset.done $0x0  }
0x95: {  	[sflag:s4] =	ssyncadd.s32 $0xFFFFFFFF  }
0x96: {  	s16 =	sld [smem:$0x10];
	(tm) =	ssettm $0x1  }
0x97: {  	s17 =	sld [smem:$0x3FFB];
	_ =	sdelay $0x3  }
0x98: {  	_ =	strace s17  }
0x99: {  	s4 =	sld [smem:$0x3FFC];
	_ =	sdelay $0x3  }
0x9a: {  	_ =	strace s4  }
0x9b: {  	s4 =	sld [smem:$0x3FFD];
	_ =	sdelay $0x3  }
0x9c: {  	_ =	strace s4  }
0x9d: {  	_ =	strace $0x8FFFFFFF  }
0x9e: {  	s18 =	sld [smem:$0x3FDB];
	_ =	sdelay $0x1  }
0x9f: {  	s19 =	simm.s32 $_scs_section_size  }
0xa0: {  	s6 =	simm.s32 $_size__tile_overlayer_lowered;
	s7 =	simm.s32 $_tile_overlayer_lowered  }
0xa1: {  	s22 =	simm.s32 $0x1BFF;
	s21 =	sshll.u32 s7, $0x1;
	s4 =	sadd.s32 s19, s18  }
0xa2: {  	s8 =	simm.s32 $0x0;
	s20 =	sshll.u32 s6, $0x1;
	s6 =	sadd.s32 s21, s4  }
0xa3: {  	[timem:s8], [sflag:s22] =	dma.local [hbm:s6], s20  }
0xa4: {  	_ =	swait.ge [sflag:s22], s20  }
0xa5: {  	s5 =	ssub.s32 $0x0, s20;
	[sflag:s22] =	ssyncset.done $0x0  }
0xa6: {  	[sflag:s22] =	ssyncadd.s32 s5;
	_ =	sdelay $0x1  }
0xa7: {  	s23 =	simm.s32 $0x1B8B  }
0xa8: {  	_ =	swait.ge [sflag:s23], $0x1  }
0xa9: {  	[sflag:s23] =	ssyncset.done $0x0  }
0xaa: {  	s25 =	simm.s32 $0x1B8E;
	s24 =	sld [smem:$0x3FFE];
	[sflag:s23] =	ssyncadd.s32 $0xFFFFFFFF  }
0xab: {  	s26 =	simm.s32 $execute0_lowered;
	[smem:$0x3FD2] =	sst s25  }
0xac: {  	s6 =	sshll.u32 s26, $0x1;
	_ =	strace $0x80000046;
	[dreg:$0x1] =	wrdreg $0xFFFFFFFF  }
0xad: {  	s28 =	simm.s32 $_size_execute0_lowered;
	s4 =	sadd.s32 s4, s6;
	[dreg:$0x0] =	wrdreg $0x0  }
0xae: {  	s6 =	sshll.u32 s28, $0x1;
	[dreg:$0x2] =	wrdreg s4  }
0xaf: {  	[dreg:$0x3] =	wrdreg s6  }
0xb0: {  	[dreg:$0x4] =	wrdreg $0xC0  }
0xb1: {  	_ =	task [dreg:s8], $0x5FFFF  }
0xb2: {  	[dreg:$0x1] =	wrdreg $0xFFFFFFFF  }
0xb3: {  	[dreg:$0x0] =	wrdreg $0x60  }
0xb4: {  	[dreg:$0x2] =	wrdreg s15  }
0xb5: {  	[dreg:$0x3] =	wrdreg s24  }
0xb6: {  	[dreg:$0x4] =	wrdreg s16  }
0xb7: {  	[dreg:$0x5] =	wrdreg $0x92000  }
0xb8: {  	[dreg:$0x6] =	wrdreg $0x9  }
0xb9: {  	_ =	task.clear_ibuf [dreg:s8], $0x7FFFF;
	_ =	strace $0x90000046  }
0xba: {  	s29 =	simm.s32 $0x9;
	_ =	strace $0x80000048  }
0xbb: {  	_ =	swait.ge [sflag:s29], $0x1  }
0xbc: {  	[sflag:s29] =	ssyncadd.s32 $0xFFFFFFFF  }
0xbd: {  	_ =	strace $0x90000048  }
0xbe: {  	_ =	sfence  }
0xbf: {  	s30 =	sld [smem:$0x0];
	_ =	sdelay $0x2  }
0xc0: {  	s31 =	sshll.u32 s1, $0xD;
	s1 =	sshrl.u32 s1, $0x2  }
0xc1: {  	s3 =	sand.u32 $0x4000, s31;
	s1 =	sadd.s32 s1, s30  }
0xc2: {  	s0 =	sor.u32 s3, s0;
	s1 =	sshll.u32 s1, $0x11  }
0xc3: {  	s0 =	sor.u32 s1, s0  }
0xc4: {  	s0 =	sadd.s32 $0x8F2B, s0  }
0xc5: {  	[sflag:s0] =	ssyncadd.remote.s32 $0x1  }
0xc6: {  	_ =	sfence.sel $0xFFFF  }
0xc7: {  	[dreg:$0x0] =	wrdreg $0xFFFFFFFF;
	(pc) =	sbr.abs _section_cstart, $3  }
0xc8: {  	[dreg:$0x1] =	wrdreg $0xFFFFFFFF  }
0xc9: {  	_ =	task.clear_ibuf [dreg:s8], $0x2FFFF;
	_ =	strace $0x9FFFFFFF  }
0xca: {  	(tm) =	ssettm $0x7FFFFFFF  }
0xcb: {  	_ =	shalt  }
tec
execute0_lowered:
.L_overlay_start_1:
0x0: {  	(tag) =	ssettag $0x1  }
0x1: {  	s0 =	rddreg [dreg:$0x0]  }
0x2: {  	s4 =	rddreg [dreg:$0x1]  }
0x3: {  	s5 =	rddreg [dreg:$0x2];
	s1 =	srdreg.scid  }
0x4: {  	s6 =	stileid.u32;
	s2 =	rddreg [dreg:$0x3];
	s3 =	simm.s32 $0x0  }
0x5: {  	s23 =	simm.s32 $0x80;
	s24 =	simm.s32 $0x900;
	s26 =	simm.s32 $0x1100  }
0x6: {  	s28 =	simm.s32 $0x1900;
	s29 =	simm.s32 $0x2100;
	s30 =	simm.s32 $0x2900  }
0x7: {  	s31 =	simm.s32 $0x3100;
	s7 =	sand.u32 $0x1, s1;
	s1 =	rddreg [dreg:$0x4]  }
0x8: {  	s13 =	simm.s32 $0x6900;
	[smem:$0x7FF] =	sst s3;
	s11 =	sadd.s32 $0x1600, s4  }
0x9: {  	s14 =	simm.s32 $0x7100;
	_ =	strace $0x80000047;
	[dreg:$0x5] =	wrdreg s11  }
0xa: {  	s15 =	simm.s32 $0x7900;
	s16 =	simm.s32 $0x8100;
	[dreg:$0xa] =	wrdreg s23  }
0xb: {  	s17 =	simm.s32 $0x8900;
	s18 =	simm.s32 $0x1;
	[dreg:$0xb] =	wrdreg s24  }
0xc: {  	s8 =	sshll.u32 s6, $0x1;
	s10 =	sadd.s32 $0x1200, s4;
	[dreg:$0xc] =	wrdreg s26  }
0xd: {  	p0 =	sne.s32 s6, $0x0;
	s6 =	simm.s32 $0x100;
	[dreg:$0xd] =	wrdreg s28  }
0xe: {  	s8 =	sor.u32 s7, s8;
	s12 =	sshll.u32 s7, $0x4;
	[dreg:$0xe] =	wrdreg s29  }
0xf: {  	s25 =	ssub.s32 $0x2, s7;
	[dreg:$0xf] =	wrdreg s30;
	s9 =	smul.u32 $0x90, s8  }
0x10: {  	[dreg:$0x10] =	wrdreg s31;
	s8 =	smul.u32 $0x1200, s8;
	s4 =	sadd.s32 s12, s4  }
0x11: {  	s7 =	sshrl.u32 s25, $0x1;
	s12 =	simm.s32 $0x6100;
	s4 =	sadd.s32 $0x1A00, s4  }
0x12: {  	s22 =	sshrl.u32 s9, $0x3;
	s9 =	sadd.s32 $0x48, s9;
	s5 =	sadd.s32 s5, s8  }
0x13: {  	[dreg:$0x9] =	wrdreg s4;
	s8 =	simm.s32 $0x4100;
	s11 =	sadd.s32 s10, s22  }
0x14: {  	s9 =	sshrl.u32 s9, $0x3;
	[dreg:$0x8] =	wrdreg s5;
	s5 =	ssub.s32 s25, s7  }
0x15: {  	v2 =	vlaneseq.u32;
	s7 =	simm.s32 $0x3900;
	[dreg:$0x6] =	wrdreg s11;
	s9 =	sadd.s32 s10, s9  }
0x16: {  	vm0 =	vmmov $0xffff;
	v3 =	vimm.f32 $1.000000000e+00;
	v1 =	vshrl.u32 v2, $0x3;
	s4 =	smax.u32 s5, $0x1;
	s5 =	simm.s32 $0x2;
	s10 =	simm.s32 $0x5100  }
0x17: {  	v0 =	vand.u32 $0x7, v2;
	v2 =	vor.u32 $0x8, v2;
	v1 =	vmul.u32 $0x8, v1;
	s11 =	simm.s32 $0x5900;
	[dreg:$0x7] =	wrdreg s9;
	s9 =	simm.s32 $0x4900  }
.LBB2_1:
0x18: {  	s19 =	rddreg [dreg:$0x6]  }
0x19: {  	[tilespmem:s3], [sflag:$0x2] =	stream.linear.gather [hbm4b:s19+s3], $0x48, $0x38;
	[tilespmem:$0x9400] =	vst v63  }
0x1a: {  	_ =	swait.ge [sflag:s5], $0x48  }
0x1b: {  	s23 =	rddreg [dreg:$0x7];
	[sflag:s5] =	ssyncset.done $0x0  }
0x1c: {  	s20 =	rddreg [dreg:$0xa];
	[sflag:s5] =	ssyncadd.s32 $0xFFFFFFB8  }
0x1d: {  	[tilespmem:s20], [sflag:$0x2] =	stream.linear.gather [hbm4b:s23+s3], $0x48, $0x38;
	[tilespmem:$0x9400] =	vst v63  }
0x1e: {  	_ =	swait.ge [sflag:s5], $0x48  }
0x1f: {  	[sflag:s5] =	ssyncset.done $0x0  }
0x20: {  	[sflag:s5] =	ssyncadd.s32 $0xFFFFFFB8  }
0x21: {  	v4 =	vld [tilespmem:$0x0];
	_ =	sdelay $0x4  }
0x22: {  	v5 =	vshll.u32 v4, $0x1  }
0x23: {  	v4 =	vand.u32 $0x7, v4;
	v5 =	vand.u32 $0xFFFFFFF0, v5  }
0x24: {  	v4 =	vor.u32 v4, v5  }
0x25: {  	v5 =	vperm.xlane v4, v0;
	_ =	sdelay $0x1  }
0x26: {  	v4 =	vperm.xlane v4, v2;
	v5 =	vadd.s32 v1, v5;
	_ =	sdelay $0x1  }
0x27: {  	v4 =	vadd.s32 v1, v4;
	_ =	sdelay $0x2  }
0x28: {  	[tilespmem:s6], [sflag:$0x1] =	stream.indirect_vreg.gather [hbm4b:s0+s3], $0x80, v5, vm0, $0xb8;
	[tilespmem:$0x9400] =	vst v63  }
0x29: {  	s24 =	rddreg [dreg:$0xb]  }
0x2a: {  	[tilespmem:s24], [sflag:$0x1] =	stream.indirect_vreg.gather [hbm4b:s0+s3], $0x80, v4, vm0, $0xb8;
	[tilespmem:$0x9400] =	vst v63  }
0x2b: {  	v4 =	vld [tilespmem:$0x10];
	_ =	sdelay $0x4  }
0x2c: {  	v5 =	vshll.u32 v4, $0x1  }
0x2d: {  	v4 =	vand.u32 $0x7, v4;
	v5 =	vand.u32 $0xFFFFFFF0, v5  }
0x2e: {  	v4 =	vor.u32 v4, v5  }
0x2f: {  	v5 =	vperm.xlane v4, v0;
	_ =	sdelay $0x1  }
0x30: {  	v4 =	vperm.xlane v4, v2;
	v5 =	vadd.s32 v1, v5;
	_ =	sdelay $0x1  }
0x31: {  	v4 =	vadd.s32 v1, v4;
	_ =	sdelay $0x1  }
0x32: {  	s25 =	rddreg [dreg:$0xc]  }
0x33: {  	[tilespmem:s25], [sflag:$0x1] =	stream.indirect_vreg.gather [hbm4b:s0+s3], $0x80, v5, vm0, $0xb8;
	[tilespmem:$0x9400] =	vst v63  }
0x34: {  	s26 =	rddreg [dreg:$0xd]  }
0x35: {  	[tilespmem:s26], [sflag:$0x1] =	stream.indirect_vreg.gather [hbm4b:s0+s3], $0x80, v4, vm0, $0xb8;
	[tilespmem:$0x9400] =	vst v63  }
0x36: {  	v4 =	vld [tilespmem:$0x20];
	_ =	sdelay $0x4  }
0x37: {  	v5 =	vshll.u32 v4, $0x1  }
0x38: {  	v4 =	vand.u32 $0x7, v4;
	v5 =	vand.u32 $0xFFFFFFF0, v5  }
0x39: {  	v4 =	vor.u32 v4, v5  }
0x3a: {  	v5 =	vperm.xlane v4, v0;
	_ =	sdelay $0x1  }
0x3b: {  	v4 =	vperm.xlane v4, v2;
	v5 =	vadd.s32 v1, v5;
	_ =	sdelay $0x1  }
0x3c: {  	v4 =	vadd.s32 v1, v4;
	_ =	sdelay $0x1  }
0x3d: {  	s28 =	rddreg [dreg:$0xe]  }
0x3e: {  	[tilespmem:s28], [sflag:$0x1] =	stream.indirect_vreg.gather [hbm4b:s0+s3], $0x80, v5, vm0, $0xb8;
	[tilespmem:$0x9400] =	vst v63  }
0x3f: {  	s29 =	rddreg [dreg:$0xf]  }
0x40: {  	[tilespmem:s29], [sflag:$0x1] =	stream.indirect_vreg.gather [hbm4b:s0+s3], $0x80, v4, vm0, $0xb8;
	[tilespmem:$0x9400] =	vst v63  }
0x41: {  	v4 =	vld [tilespmem:$0x30];
	_ =	sdelay $0x4  }
0x42: {  	v5 =	vshll.u32 v4, $0x1  }
0x43: {  	v4 =	vand.u32 $0x7, v4;
	v5 =	vand.u32 $0xFFFFFFF0, v5  }
0x44: {  	v4 =	vor.u32 v4, v5  }
0x45: {  	v5 =	vperm.xlane v4, v0;
	_ =	sdelay $0x1  }
0x46: {  	v4 =	vperm.xlane v4, v2;
	v5 =	vadd.s32 v1, v5;
	_ =	sdelay $0x1  }
0x47: {  	v4 =	vadd.s32 v1, v4;
	_ =	sdelay $0x1  }
0x48: {  	s30 =	rddreg [dreg:$0x10]  }
0x49: {  	[tilespmem:s30], [sflag:$0x1] =	stream.indirect_vreg.gather [hbm4b:s0+s3], $0x80, v5, vm0, $0xb8;
	[tilespmem:$0x9400] =	vst v63  }
0x4a: {  	_ = 	snop  }
0x4b: {  	[tilespmem:s7], [sflag:$0x1] =	stream.indirect_vreg.gather [hbm4b:s0+s3], $0x80, v4, vm0, $0xb8;
	[tilespmem:$0x9400] =	vst v63  }
0x4c: {  	v4 =	vld.msk [tilespmem:$0x40], $0xff;
	_ =	sdelay $0x4  }
0x4d: {  	v5 =	vshll.u32 v4, $0x1  }
0x4e: {  	v4 =	vand.u32 $0x7, v4;
	v5 =	vand.u32 $0xFFFFFFF0, v5  }
0x4f: {  	v4 =	vor.u32 v4, v5  }
0x50: {  	v4 =	vperm.xlane v4, v0;
	_ =	sdelay $0x1  }
0x51: {  	v4 =	vadd.s32 v1, v4;
	_ =	sdelay $0x4  }
0x52: {  	[tilespmem:s8], [sflag:$0x1] =	stream.indirect_vreg.gather [hbm4b:s0+s3], $0x80, v4, vm0, $0xb8;
	[tilespmem:$0x9400] =	vst v63  }
0x53: {  	v4 =	vld [tilespmem:$0x80];
	_ =	sdelay $0x4  }
0x54: {  	v5 =	vshll.u32 v4, $0x1  }
0x55: {  	v4 =	vand.u32 $0x7, v4;
	v5 =	vand.u32 $0xFFFFFFF0, v5  }
0x56: {  	v4 =	vor.u32 v4, v5  }
0x57: {  	v5 =	vperm.xlane v4, v0;
	_ =	sdelay $0x1  }
0x58: {  	v4 =	vperm.xlane v4, v2;
	v5 =	vadd.s32 v1, v5;
	_ =	sdelay $0x1  }
0x59: {  	v4 =	vadd.s32 v1, v4;
	_ =	sdelay $0x2  }
0x5a: {  	[tilespmem:s9], [sflag:$0x1] =	stream.indirect_vreg.gather [hbm4b:s0+s3], $0x80, v5, vm0, $0xb8;
	[tilespmem:$0x9400] =	vst v63  }
0x5b: {  	_ = 	snop  }
0x5c: {  	[tilespmem:s10], [sflag:$0x1] =	stream.indirect_vreg.gather [hbm4b:s0+s3], $0x80, v4, vm0, $0xb8;
	[tilespmem:$0x9400] =	vst v63  }
0x5d: {  	v4 =	vld [tilespmem:$0x90];
	_ =	sdelay $0x4  }
0x5e: {  	v5 =	vshll.u32 v4, $0x1  }
0x5f: {  	v4 =	vand.u32 $0x7, v4;
	v5 =	vand.u32 $0xFFFFFFF0, v5  }
0x60: {  	v4 =	vor.u32 v4, v5  }
0x61: {  	v5 =	vperm.xlane v4, v0;
	_ =	sdelay $0x1  }
0x62: {  	v4 =	vperm.xlane v4, v2;
	v5 =	vadd.s32 v1, v5;
	_ =	sdelay $0x1  }
0x63: {  	v4 =	vadd.s32 v1, v4;
	_ =	sdelay $0x2  }
0x64: {  	[tilespmem:s11], [sflag:$0x1] =	stream.indirect_vreg.gather [hbm4b:s0+s3], $0x80, v5, vm0, $0xb8;
	[tilespmem:$0x9400] =	vst v63  }
0x65: {  	_ = 	snop  }
0x66: {  	[tilespmem:s12], [sflag:$0x1] =	stream.indirect_vreg.gather [hbm4b:s0+s3], $0x80, v4, vm0, $0xb8;
	[tilespmem:$0x9400] =	vst v63  }
0x67: {  	v4 =	vld [tilespmem:$0xA0];
	_ =	sdelay $0x4  }
0x68: {  	v5 =	vshll.u32 v4, $0x1  }
0x69: {  	v4 =	vand.u32 $0x7, v4;
	v5 =	vand.u32 $0xFFFFFFF0, v5  }
0x6a: {  	v4 =	vor.u32 v4, v5  }
0x6b: {  	v5 =	vperm.xlane v4, v0;
	_ =	sdelay $0x1  }
0x6c: {  	v4 =	vperm.xlane v4, v2;
	v5 =	vadd.s32 v1, v5;
	_ =	sdelay $0x1  }
0x6d: {  	v4 =	vadd.s32 v1, v4;
	_ =	sdelay $0x2  }
0x6e: {  	[tilespmem:s13], [sflag:$0x1] =	stream.indirect_vreg.gather [hbm4b:s0+s3], $0x80, v5, vm0, $0xb8;
	[tilespmem:$0x9400] =	vst v63  }
0x6f: {  	_ = 	snop  }
0x70: {  	[tilespmem:s14], [sflag:$0x1] =	stream.indirect_vreg.gather [hbm4b:s0+s3], $0x80, v4, vm0, $0xb8;
	[tilespmem:$0x9400] =	vst v63  }
0x71: {  	v4 =	vld [tilespmem:$0xB0];
	_ =	sdelay $0x4  }
0x72: {  	v5 =	vshll.u32 v4, $0x1  }
0x73: {  	v4 =	vand.u32 $0x7, v4;
	v5 =	vand.u32 $0xFFFFFFF0, v5  }
0x74: {  	v4 =	vor.u32 v4, v5  }
0x75: {  	v5 =	vperm.xlane v4, v0;
	_ =	sdelay $0x1  }
0x76: {  	v4 =	vperm.xlane v4, v2;
	v5 =	vadd.s32 v1, v5;
	_ =	sdelay $0x1  }
0x77: {  	v4 =	vadd.s32 v1, v4;
	_ =	sdelay $0x2  }
0x78: {  	[tilespmem:s15], [sflag:$0x1] =	stream.indirect_vreg.gather [hbm4b:s0+s3], $0x80, v5, vm0, $0xb8;
	[tilespmem:$0x9400] =	vst v63  }
0x79: {  	_ = 	snop  }
0x7a: {  	[tilespmem:s16], [sflag:$0x1] =	stream.indirect_vreg.gather [hbm4b:s0+s3], $0x80, v4, vm0, $0xb8;
	[tilespmem:$0x9400] =	vst v63  }
0x7b: {  	v4 =	vld.msk [tilespmem:$0xC0], $0xff;
	_ =	sdelay $0x4  }
0x7c: {  	v5 =	vshll.u32 v4, $0x1  }
0x7d: {  	v4 =	vand.u32 $0x7, v4;
	v5 =	vand.u32 $0xFFFFFFF0, v5  }
0x7e: {  	v4 =	vor.u32 v4, v5  }
0x7f: {  	v4 =	vperm.xlane v4, v0;
	_ =	sdelay $0x1  }
0x80: {  	v4 =	vadd.s32 v1, v4;
	_ =	sdelay $0x4  }
0x81: {  	[tilespmem:s17], [sflag:$0x1] =	stream.indirect_vreg.gather [hbm4b:s0+s3], $0x80, v4, vm0, $0xb8;
	[tilespmem:$0x9400] =	vst v63  }
0x82: {  	_ =	swait.ge [sflag:s18], $0x4800  }
0x83: {  	[sflag:s18] =	ssyncset.done $0x0  }
0x84: {  	[sflag:s18] =	ssyncadd.s32 $0xFFFFB800  }
0x85: {  	_ =	swait.ge [sflag:s18], $0x4800  }
0x86: {  	[sflag:s18] =	ssyncset.done $0x0  }
0x87: {  	s31 =	rddreg [dreg:$0x8];
	[sflag:s18] =	ssyncadd.s32 $0xFFFFB800  }
0x88: {  	[hbm4b:s31+s3] =	stream.linear.scatter [tilespmem:s6], [sflag:$0x2], $0x9000, $0x38;
	[tilespmem:$0x9400] =	vst v63  }
0x89: {  	_ =	swait.ge [sflag:s5], $0x9000  }
0x8a: {  	[sflag:s5] =	ssyncset.done $0x0  }
0x8b: {  	[sflag:s5] =	ssyncadd.s32 $0xFFFF7000  }
0x8c: {  	[tilespmem:$0x9100] =	vst v3  }
0x8d: {  	[tilespmem:$0x9110] =	vst v3  }
0x8e: {  	[tilespmem:$0x9120] =	vst v3  }
0x8f: {  	[tilespmem:$0x9130] =	vst v3  }
0x90: {  	[tilespmem:$0x9140] =	vst v3  }
0x91: {  	[tilespmem:$0x9150] =	vst v3  }
0x92: {  	[tilespmem:$0x9160] =	vst v3  }
0x93: {  	[tilespmem:$0x9170] =	vst v3  }
0x94: {  	s21 =	simm.s32 @p0 $0x9100;
	[tilespmem:$0x9180] =	vst v3  }
0x95: {  	s19 =	simm.s32 @p0 $0x48;
	s20 =	simm.s32 @p0 $0x0;
	[bflag:$0x0] =	sbarrier.arrive @p0 $0xFFFF  }
0x96: {  	[spmem:s2] =	stream.indirect.scatter.add.f32 @p0 [tilespmem:s21], [sflag:$0x2], $0x1, s20, s19, $0xb8;
	[tilespmem:$0x9400] =	vst v63  }
0x97: {  	s20 =	simm.s32 @p0 $0x2  }
0x98: {  	_ =	swait.ge @p0 [sflag:s20], $0x48  }
0x99: {  	[sflag:s20] =	ssyncset.done @p0 $0x0  }
0x9a: {  	s22 =	simm.s32 @p0 $0x80;
	[sflag:s20] =	ssyncadd.s32 @p0 $0xFFFFFFB8  }
0x9b: {  	[spmem:s2] =	stream.indirect.scatter.add.f32 @p0 [tilespmem:s21], [sflag:$0x2], $0x1, s22, s19, $0xb8;
	[tilespmem:$0x9400] =	vst v63  }
0x9c: {  	_ =	swait.ge @p0 [sflag:s20], $0x48  }
0x9d: {  	[sflag:s20] =	ssyncset.done @p0 $0x0  }
0x9e: {  	[sflag:s20] =	ssyncadd.s32 @p0 $0xFFFFFFB8  }
0x9f: {  	[bflag:$0x0] =	sbarrier.arrive @p0 $0xFFFF  }
0xa0: {  	s21 =	simm.s32 @!p0 $0x1C02;
	s20 =	sshrl.u32 @!p0 s2, $0x3;
	s19 =	rddreg [dreg:$0x5]  }
0xa1: {  	[spmem:s20], [sflag:s21] =	dma.local @!p0 [hbm:s19], $0x400  }
0xa2: {  	s19 =	simm.s32 @!p0 $0x2  }
0xa3: {  	_ =	swait.ge @!p0 [sflag:s19], $0x400  }
0xa4: {  	[sflag:s19] =	ssyncset.done @!p0 $0x0  }
0xa5: {  	s23 =	simm.s32 @!p0 $0x0;
	[sflag:s19] =	ssyncadd.s32 @!p0 $0xFFFFFC00  }
0xa6: {  	s24 =	simm.s32 @!p0 $0x9100;
	s22 =	simm.s32 @!p0 $0x48;
	[bflag:$0x0] =	sbarrier.arrive @!p0 $0xFFFF  }
0xa7: {  	[spmem:s2] =	stream.indirect.scatter.add.f32 @!p0 [tilespmem:s24], [sflag:$0x2], $0x1, s23, s22, $0xb8;
	[tilespmem:$0x9400] =	vst v63  }
0xa8: {  	_ =	swait.ge @!p0 [sflag:s19], $0x48  }
0xa9: {  	[sflag:s19] =	ssyncset.done @!p0 $0x0  }
0xaa: {  	s23 =	simm.s32 @!p0 $0x80;
	[sflag:s19] =	ssyncadd.s32 @!p0 $0xFFFFFFB8  }
0xab: {  	[spmem:s2] =	stream.indirect.scatter.add.f32 @!p0 [tilespmem:s24], [sflag:$0x2], $0x1, s23, s22, $0xb8;
	[tilespmem:$0x9400] =	vst v63  }
0xac: {  	_ =	swait.ge @!p0 [sflag:s19], $0x48  }
0xad: {  	s4 =	sadd.s32 $0xFFFFFFFF, s4;
	[sflag:s19] =	ssyncset.done @!p0 $0x0  }
0xae: {  	p1 =	sne.s32 s4, $0x0;
	[sflag:s19] =	ssyncadd.s32 @!p0 $0xFFFFFFB8  }
0xaf: {  	s25 =	simm.s32 @!p0 $0x10;
	s23 =	simm.s32 @!p0 $0x1;
	[bflag:$0x0] =	sbarrier.arrive @!p0 $0xFFFF  }
.Ltmp0:
0xb0: {  	s24 =	simm.s32 @!p0 $0x20;
	s22 =	rddreg [dreg:$0x9];
	(pc) =	sbr.rel @p1 .LBB2_1-.Ltmp0, $4  }
0xb1: {  	[hbm:s22@s24], [sflag:s21] =	dma.strided @!p0 [spmem:s20@s25], $0x400, s23, $0x10   }
0xb2: {  	_ =	swait.ge @!p0 [sflag:s19], $0x400  }
0xb3: {  	[sflag:s19] =	ssyncset.done @!p0 $0x0  }
0xb4: {  	[sflag:s19] =	ssyncadd.s32 @!p0 $0xFFFFFC00  }
0xb5: {  	_ =	sfence.sel $0x180000  }
0xb6: {  	[bflag:$0x0] =	sbarrier.arrive $0xFFFF  }
0xb7: {  	_ =	strace $0x90000047  }
0xb8: {  	s0 =	sadd.s32 @!p0 $0x100000, s1;
	[bflag:$0x2] =	sbarrier.arrive $0xFFFF  }
0xb9: {  	[sflag:s0] =	ssyncadd.tile.s32 @!p0 $0x1;
	_ =	shalt  }
.Lfunc_end2:
_tile_overlayer_lowered:
.L_overlay_start_2:
0xba: {  	(tag) =	ssettag $0x2  }
0xbb: {  	s0 =	rddreg [dreg:$0x0];
	s2 =	stileid.u32  }
0xbc: {  	s1 =	rddreg [dreg:$0x1];
	p0 =	sne.s32 s2, $0x0  }
0xbd: {  	s3 =	rddreg [dreg:$0x2];
	[bflag:$0x3] =	sbarrier.arrive $0xFFFF;
	s2 =	simm.s32 @!p0 $0x1C02  }
0xbe: {  	[timem:s3], [sflag:s2] =	dma.local @!p0 [hbm:s0], s1  }
0xbf: {  	s0 =	simm.s32 @!p0 $0x2  }
0xc0: {  	_ =	swait.ge @!p0 [sflag:s0], s1  }
0xc1: {  	s1 =	ssub.s32 @!p0 $0x0, s1;
	[sflag:s0] =	ssyncset.done @!p0 $0x0  }
0xc2: {  	[sflag:s0] =	ssyncadd.s32 @!p0 s1  }
0xc3: {  	[bflag:$0x3] =	sbarrier.arrive $0xFFFF  }
0xc4: {  	_ =	shalt  }

</sc_bundles>
